<compile_context>
chip_gen: v7x
topology: tpu7x:2x2x1
jax: 0.10.2.dev20260603
libtpu: 0.0.44.dev20260713+nightly
codegen_flags: <defaults>
</compile_context>

<pallas_src>
import functools

import jax
import jax.numpy as jnp
from jax import lax
from jax.experimental import pallas as pl
from jax.experimental.pallas import tpu as pltpu
from jax.experimental.pallas import tpu_sc as plsc

_BATCH = 4096
_HIST = 200
_D = 128
_V = 200
_TOT = _BATCH * _HIST

_info = plsc.get_sparse_core_info()
_NC = _info.num_cores
_NS = _info.num_subcores
_NW = _NC * _NS
_B_W = _TOT // _NW
_CH = 64
_N_CH = _B_W // _CH
_NB = 8
_R = _N_CH // _NB

_mesh = plsc.VectorSubcoreMesh(core_axis_name="c", subcore_axis_name="s")


@functools.partial(
    pl.kernel,
    mesh=_mesh,
    out_type=jax.ShapeDtypeStruct((_TOT, _D), jnp.float32),
    scratch_types=[
        pltpu.VMEM((_N_CH, _CH), jnp.int32),
        pltpu.VMEM_SHARED((_V, _D), jnp.float32),
        pltpu.VMEM((_NB, _CH, _D), jnp.float32),
    ]
    + [pltpu.SemaphoreType.DMA] * (2 * _NB + 1),
)
def _gather_kernel(idx_hbm, table_hbm, out_hbm, idx_v, table_sh, rows, *sems):
    gsem = sems[:_NB]
    ssem = sems[_NB : 2 * _NB]
    isem = sems[2 * _NB]
    sid = lax.axis_index("s")
    wid = sid * _NC + lax.axis_index("c")
    base = wid * _B_W

    idx_copy = pltpu.async_copy(idx_hbm.at[pl.ds(wid * _N_CH, _N_CH)], idx_v, isem)

    @pl.when(sid == 0)
    def _stage_table():
        pltpu.sync_copy(table_hbm, table_sh)

    plsc.subcore_barrier()
    idx_copy.wait()

    def fire_gather(b, g):
        pltpu.async_copy(table_sh.at[idx_v.at[g]], rows.at[b], gsem[b])

    def wait_gather(b):
        pltpu.make_async_copy(table_sh.at[idx_v.at[0]], rows.at[b], gsem[b]).wait()

    def fire_store(b, g):
        pltpu.async_copy(rows.at[b], out_hbm.at[pl.ds(base + g * _CH, _CH)], ssem[b])

    def wait_store(b):
        pltpu.make_async_copy(rows.at[b], out_hbm.at[pl.ds(base, _CH)], ssem[b]).wait()

    for b in range(_NB):
        fire_gather(b, b)

    def body(r, carry):
        g0 = r * _NB
        for b in range(_NB):
            wait_gather(b)
            fire_store(b, g0 + b)

        @pl.when(r < _R - 1)
        def _():
            for b in range(_NB):
                wait_store(b)
                fire_gather(b, g0 + _NB + b)

        return carry

    lax.fori_loop(0, _R, body, 0)
    for b in range(_NB):
        wait_store(b)


def kernel(t, table):
    out = _gather_kernel(t.reshape(_NW * _N_CH, _CH), table)
    return out.reshape(_BATCH, _HIST, _D)

# --- scband reference (transcript-rebuilt; emitter-appended) ---
"""Pipeline reference for scband-temporal-encoding-24489903522212 (READ-ONLY COPY).

The authoritative reference and input builder live on the scoring server;
editing this copy changes nothing except your own understanding.
"""

import jax, jax.numpy as jnp
import numpy as np
import math

N_INP = 128
MAX_LEN = 200
BATCH = 4096
HIST = 200


def _build_table(n_inp, max_len):
    position = jnp.arange(0.0, max_len, dtype=jnp.float32)[:, None]
    div_term = jnp.exp(jnp.arange(0, n_inp, 2, dtype=jnp.float32) * (-(math.log(10000.0) / n_inp)))
    table = jnp.zeros((max_len, n_inp), dtype=jnp.float32)
    table = table.at[:, 0::2].set(jnp.sin(position * div_term) / math.sqrt(n_inp))
    table = table.at[:, 1::2].set(jnp.cos(position * div_term) / math.sqrt(n_inp))
    return table


def setup_inputs(seed: int = 0) -> dict:
    key = jax.random.key(seed)
    t = jax.random.randint(key, (BATCH, HIST), 0, MAX_LEN, dtype=jnp.int32)
    table = _build_table(N_INP, MAX_LEN)
    return {"t": t, "table": table}


def reference(t, table):
    # TemporalEncoding.forward: embedding lookup into sinusoidal table
    return jnp.take(table, t, axis=0)

if __name__ == "__main__":
    import jax
    _d = setup_inputs()
    print(jax.jit(kernel)(*tuple(_d.values())))

</pallas_src>

<mosaic_0001>
#map = affine_map<(d0, d1) -> (0, 0)>
module attributes {stable_mosaic.version = 14 : i64} {
  func.func @_gather_kernel(%arg0: i32, %arg1: i32, %arg2: memref<12800x64xi32, #tpu.memory_space<hbm>>, %arg3: memref<200x128xf32, #tpu.memory_space<hbm>>, %arg4: memref<819200x128xf32, #tpu.memory_space<hbm>>, %arg5: memref<400x64xi32, #tpu.memory_space<vmem>>, %arg6: memref<200x128xf32, #tpu.memory_space<vmem_shared>>, %arg7: memref<8x64x128xf32, #tpu.memory_space<vmem>>, %arg8: memref<!tpu.dma_semaphore, #tpu.memory_space<semaphore_mem>>, %arg9: memref<!tpu.dma_semaphore, #tpu.memory_space<semaphore_mem>>, %arg10: memref<!tpu.dma_semaphore, #tpu.memory_space<semaphore_mem>>, %arg11: memref<!tpu.dma_semaphore, #tpu.memory_space<semaphore_mem>>, %arg12: memref<!tpu.dma_semaphore, #tpu.memory_space<semaphore_mem>>, %arg13: memref<!tpu.dma_semaphore, #tpu.memory_space<semaphore_mem>>, %arg14: memref<!tpu.dma_semaphore, #tpu.memory_space<semaphore_mem>>, %arg15: memref<!tpu.dma_semaphore, #tpu.memory_space<semaphore_mem>>, %arg16: memref<!tpu.dma_semaphore, #tpu.memory_space<semaphore_mem>>, %arg17: memref<!tpu.dma_semaphore, #tpu.memory_space<semaphore_mem>>, %arg18: memref<!tpu.dma_semaphore, #tpu.memory_space<semaphore_mem>>, %arg19: memref<!tpu.dma_semaphore, #tpu.memory_space<semaphore_mem>>, %arg20: memref<!tpu.dma_semaphore, #tpu.memory_space<semaphore_mem>>, %arg21: memref<!tpu.dma_semaphore, #tpu.memory_space<semaphore_mem>>, %arg22: memref<!tpu.dma_semaphore, #tpu.memory_space<semaphore_mem>>, %arg23: memref<!tpu.dma_semaphore, #tpu.memory_space<semaphore_mem>>, %arg24: memref<!tpu.dma_semaphore, #tpu.memory_space<semaphore_mem>>) attributes {dimension_semantics = [#tpu.dimension_semantics<core_parallel>, #tpu.dimension_semantics<subcore_parallel>], iteration_bounds = array<i64: 2, 16>, scalar_prefetch = 0 : i64, scratch_operands = 20 : i64, tpu.core_type = #tpu.core_type<sc_vector_subcore>, window_params = [{transform_indices = #map}, {transform_indices = #map}, {transform_indices = #map}]} {
    %mul3A = arith.constant 2 : i32
    %mul3A_0 = arith.muli %arg1, %mul3A : i32
    %add3A = arith.addi %mul3A_0, %arg0 : i32
    %mul3A_1 = arith.constant 25600 : i32
    %mul3A_2 = arith.muli %add3A, %mul3A_1 : i32
    %mul3A_3 = arith.constant 400 : i32
    %mul3A_4 = arith.muli %add3A, %mul3A_3 : i32
    %dma_start3A = arith.constant 0 : i32
    %dma_start3A_5 = tpu.memref_slice %arg2[%mul3A_4, %dma_start3A] : memref<12800x64xi32, #tpu.memory_space<hbm>> -> memref<400x64xi32, #tpu.memory_space<hbm>>
    %dma_start3A_6 = arith.constant 0 : i32
    %dma_start3A_7 = tpu.memref_slice %arg2[%mul3A_4, %dma_start3A_6] : memref<12800x64xi32, #tpu.memory_space<hbm>> -> memref<400x64xi32, #tpu.memory_space<hbm>>
    tpu.enqueue_dma source(%dma_start3A_7 : memref<400x64xi32, #tpu.memory_space<hbm>>) target(%arg5 : memref<400x64xi32, #tpu.memory_space<vmem>>) target_semaphore(%arg24 : memref<!tpu.dma_semaphore, #tpu.memory_space<semaphore_mem>>)
    %eq3A = arith.constant 0 : i32
    %eq3A_8 = arith.cmpi eq, %arg1, %eq3A : i32
    %convert_element_type3A = arith.extui %eq3A_8 : i1 to i32
    %cond3A = arith.constant 0 : i32
    %cond3A_9 = arith.cmpi ne, %convert_element_type3A, %cond3A : i32
    scf.if %cond3A_9 {
      "tpu.region"() ({
        %run_scoped3A = tpu.sem_alloc : memref<!tpu.dma_semaphore, #tpu.memory_space<semaphore_mem>>
        tpu.enqueue_dma source(%arg3 : memref<200x128xf32, #tpu.memory_space<hbm>>) target(%arg6 : memref<200x128xf32, #tpu.memory_space<vmem_shared>>) target_semaphore(%run_scoped3A : memref<!tpu.dma_semaphore, #tpu.memory_space<semaphore_mem>>)
        tpu.wait_dma2 semaphore(%run_scoped3A : memref<!tpu.dma_semaphore, #tpu.memory_space<semaphore_mem>>) src(%arg3 : memref<200x128xf32, #tpu.memory_space<hbm>>) dst(%arg6 : memref<200x128xf32, #tpu.memory_space<vmem_shared>>)
        tpu.yield
      }) : () -> ()
    } else {
    }
    %barrier3A = arith.constant 0 : index
    tpu.barrier barrier_id(%barrier3A)
    %dma_wait3A = arith.constant 0 : i32
    %dma_wait3A_10 = tpu.memref_slice %arg2[%mul3A_4, %dma_wait3A] : memref<12800x64xi32, #tpu.memory_space<hbm>> -> memref<400x64xi32, #tpu.memory_space<hbm>>
    %dma_wait3A_11 = arith.constant 0 : i32
    %dma_wait3A_12 = tpu.memref_slice %arg2[%mul3A_4, %dma_wait3A_11] : memref<12800x64xi32, #tpu.memory_space<hbm>> -> memref<400x64xi32, #tpu.memory_space<hbm>>
    tpu.wait_dma2 semaphore(%arg24 : memref<!tpu.dma_semaphore, #tpu.memory_space<semaphore_mem>>) src(%dma_wait3A_12 : memref<400x64xi32, #tpu.memory_space<hbm>>) dst(%arg5 : memref<400x64xi32, #tpu.memory_space<vmem>>)
    %dma_start3A_13 = arith.constant 0 : i32
    %dma_start3A_14 = arith.constant 0 : i32
    %dma_start3A_15 = arith.constant 0 : i32
    %dma_start3A_16 = arith.constant 0 : i32
    %dma_start3A_17 = tpu.memref_slice %arg7[%dma_start3A_14, %dma_start3A_15, %dma_start3A_16] : memref<8x64x128xf32, #tpu.memory_space<vmem>> -> memref<1x64x128xf32, #tpu.memory_space<vmem>>
    %dma_start3A_18 = tpu.memref_squeeze %dma_start3A_17 : memref<1x64x128xf32, #tpu.memory_space<vmem>> -> memref<64x128xf32, #tpu.memory_space<vmem>>
    %dma_start3A_19 = arith.constant 0 : i32
    %dma_start3A_20 = tpu.memref_slice %arg5[%dma_start3A_13, %dma_start3A_19] : memref<400x64xi32, #tpu.memory_space<vmem>> -> memref<1x64xi32, #tpu.memory_space<vmem>>
    %dma_start3A_21 = tpu.memref_squeeze %dma_start3A_20 : memref<1x64xi32, #tpu.memory_space<vmem>> -> memref<64xi32, #tpu.memory_space<vmem>>
    %dma_start3A_22 = arith.constant 0 : i32
    %dma_start3A_23 = arith.constant 0 : i32
    %dma_start3A_24 = tpu.memref_slice %arg6[%dma_start3A_22, %dma_start3A_23] : memref<200x128xf32, #tpu.memory_space<vmem_shared>> -> memref<200x128xf32, #tpu.memory_space<vmem_shared>>
    tpu.enqueue_indirect_dma source(%dma_start3A_24 : memref<200x128xf32, #tpu.memory_space<vmem_shared>>) target(%dma_start3A_18 : memref<64x128xf32, #tpu.memory_space<vmem>>) offsets(%dma_start3A_21 : memref<64xi32, #tpu.memory_space<vmem>>) semaphore(%arg8 : memref<!tpu.dma_semaphore, #tpu.memory_space<semaphore_mem>>)
    %dma_start3A_25 = arith.constant 1 : i32
    %dma_start3A_26 = arith.constant 1 : i32
    %dma_start3A_27 = arith.constant 0 : i32
    %dma_start3A_28 = arith.constant 0 : i32
    %dma_start3A_29 = tpu.memref_slice %arg7[%dma_start3A_26, %dma_start3A_27, %dma_start3A_28] : memref<8x64x128xf32, #tpu.memory_space<vmem>> -> memref<1x64x128xf32, #tpu.memory_space<vmem>>
    %dma_start3A_30 = tpu.memref_squeeze %dma_start3A_29 : memref<1x64x128xf32, #tpu.memory_space<vmem>> -> memref<64x128xf32, #tpu.memory_space<vmem>>
    %dma_start3A_31 = arith.constant 0 : i32
    %dma_start3A_32 = tpu.memref_slice %arg5[%dma_start3A_25, %dma_start3A_31] : memref<400x64xi32, #tpu.memory_space<vmem>> -> memref<1x64xi32, #tpu.memory_space<vmem>>
    %dma_start3A_33 = tpu.memref_squeeze %dma_start3A_32 : memref<1x64xi32, #tpu.memory_space<vmem>> -> memref<64xi32, #tpu.memory_space<vmem>>
    %dma_start3A_34 = arith.constant 0 : i32
    %dma_start3A_35 = arith.constant 0 : i32
    %dma_start3A_36 = tpu.memref_slice %arg6[%dma_start3A_34, %dma_start3A_35] : memref<200x128xf32, #tpu.memory_space<vmem_shared>> -> memref<200x128xf32, #tpu.memory_space<vmem_shared>>
    tpu.enqueue_indirect_dma source(%dma_start3A_36 : memref<200x128xf32, #tpu.memory_space<vmem_shared>>) target(%dma_start3A_30 : memref<64x128xf32, #tpu.memory_space<vmem>>) offsets(%dma_start3A_33 : memref<64xi32, #tpu.memory_space<vmem>>) semaphore(%arg9 : memref<!tpu.dma_semaphore, #tpu.memory_space<semaphore_mem>>)
    %dma_start3A_37 = arith.constant 2 : i32
    %dma_start3A_38 = arith.constant 2 : i32
    %dma_start3A_39 = arith.constant 0 : i32
    %dma_start3A_40 = arith.constant 0 : i32
    %dma_start3A_41 = tpu.memref_slice %arg7[%dma_start3A_38, %dma_start3A_39, %dma_start3A_40] : memref<8x64x128xf32, #tpu.memory_space<vmem>> -> memref<1x64x128xf32, #tpu.memory_space<vmem>>
    %dma_start3A_42 = tpu.memref_squeeze %dma_start3A_41 : memref<1x64x128xf32, #tpu.memory_space<vmem>> -> memref<64x128xf32, #tpu.memory_space<vmem>>
    %dma_start3A_43 = arith.constant 0 : i32
    %dma_start3A_44 = tpu.memref_slice %arg5[%dma_start3A_37, %dma_start3A_43] : memref<400x64xi32, #tpu.memory_space<vmem>> -> memref<1x64xi32, #tpu.memory_space<vmem>>
    %dma_start3A_45 = tpu.memref_squeeze %dma_start3A_44 : memref<1x64xi32, #tpu.memory_space<vmem>> -> memref<64xi32, #tpu.memory_space<vmem>>
    %dma_start3A_46 = arith.constant 0 : i32
    %dma_start3A_47 = arith.constant 0 : i32
    %dma_start3A_48 = tpu.memref_slice %arg6[%dma_start3A_46, %dma_start3A_47] : memref<200x128xf32, #tpu.memory_space<vmem_shared>> -> memref<200x128xf32, #tpu.memory_space<vmem_shared>>
    tpu.enqueue_indirect_dma source(%dma_start3A_48 : memref<200x128xf32, #tpu.memory_space<vmem_shared>>) target(%dma_start3A_42 : memref<64x128xf32, #tpu.memory_space<vmem>>) offsets(%dma_start3A_45 : memref<64xi32, #tpu.memory_space<vmem>>) semaphore(%arg10 : memref<!tpu.dma_semaphore, #tpu.memory_space<semaphore_mem>>)
    %dma_start3A_49 = arith.constant 3 : i32
    %dma_start3A_50 = arith.constant 3 : i32
    %dma_start3A_51 = arith.constant 0 : i32
    %dma_start3A_52 = arith.constant 0 : i32
    %dma_start3A_53 = tpu.memref_slice %arg7[%dma_start3A_50, %dma_start3A_51, %dma_start3A_52] : memref<8x64x128xf32, #tpu.memory_space<vmem>> -> memref<1x64x128xf32, #tpu.memory_space<vmem>>
    %dma_start3A_54 = tpu.memref_squeeze %dma_start3A_53 : memref<1x64x128xf32, #tpu.memory_space<vmem>> -> memref<64x128xf32, #tpu.memory_space<vmem>>
    %dma_start3A_55 = arith.constant 0 : i32
    %dma_start3A_56 = tpu.memref_slice %arg5[%dma_start3A_49, %dma_start3A_55] : memref<400x64xi32, #tpu.memory_space<vmem>> -> memref<1x64xi32, #tpu.memory_space<vmem>>
    %dma_start3A_57 = tpu.memref_squeeze %dma_start3A_56 : memref<1x64xi32, #tpu.memory_space<vmem>> -> memref<64xi32, #tpu.memory_space<vmem>>
    %dma_start3A_58 = arith.constant 0 : i32
    %dma_start3A_59 = arith.constant 0 : i32
    %dma_start3A_60 = tpu.memref_slice %arg6[%dma_start3A_58, %dma_start3A_59] : memref<200x128xf32, #tpu.memory_space<vmem_shared>> -> memref<200x128xf32, #tpu.memory_space<vmem_shared>>
    tpu.enqueue_indirect_dma source(%dma_start3A_60 : memref<200x128xf32, #tpu.memory_space<vmem_shared>>) target(%dma_start3A_54 : memref<64x128xf32, #tpu.memory_space<vmem>>) offsets(%dma_start3A_57 : memref<64xi32, #tpu.memory_space<vmem>>) semaphore(%arg11 : memref<!tpu.dma_semaphore, #tpu.memory_space<semaphore_mem>>)
    %dma_start3A_61 = arith.constant 4 : i32
    %dma_start3A_62 = arith.constant 4 : i32
    %dma_start3A_63 = arith.constant 0 : i32
    %dma_start3A_64 = arith.constant 0 : i32
    %dma_start3A_65 = tpu.memref_slice %arg7[%dma_start3A_62, %dma_start3A_63, %dma_start3A_64] : memref<8x64x128xf32, #tpu.memory_space<vmem>> -> memref<1x64x128xf32, #tpu.memory_space<vmem>>
    %dma_start3A_66 = tpu.memref_squeeze %dma_start3A_65 : memref<1x64x128xf32, #tpu.memory_space<vmem>> -> memref<64x128xf32, #tpu.memory_space<vmem>>
    %dma_start3A_67 = arith.constant 0 : i32
    %dma_start3A_68 = tpu.memref_slice %arg5[%dma_start3A_61, %dma_start3A_67] : memref<400x64xi32, #tpu.memory_space<vmem>> -> memref<1x64xi32, #tpu.memory_space<vmem>>
    %dma_start3A_69 = tpu.memref_squeeze %dma_start3A_68 : memref<1x64xi32, #tpu.memory_space<vmem>> -> memref<64xi32, #tpu.memory_space<vmem>>
    %dma_start3A_70 = arith.constant 0 : i32
    %dma_start3A_71 = arith.constant 0 : i32
    %dma_start3A_72 = tpu.memref_slice %arg6[%dma_start3A_70, %dma_start3A_71] : memref<200x128xf32, #tpu.memory_space<vmem_shared>> -> memref<200x128xf32, #tpu.memory_space<vmem_shared>>
    tpu.enqueue_indirect_dma source(%dma_start3A_72 : memref<200x128xf32, #tpu.memory_space<vmem_shared>>) target(%dma_start3A_66 : memref<64x128xf32, #tpu.memory_space<vmem>>) offsets(%dma_start3A_69 : memref<64xi32, #tpu.memory_space<vmem>>) semaphore(%arg12 : memref<!tpu.dma_semaphore, #tpu.memory_space<semaphore_mem>>)
    %dma_start3A_73 = arith.constant 5 : i32
    %dma_start3A_74 = arith.constant 5 : i32
    %dma_start3A_75 = arith.constant 0 : i32
    %dma_start3A_76 = arith.constant 0 : i32
    %dma_start3A_77 = tpu.memref_slice %arg7[%dma_start3A_74, %dma_start3A_75, %dma_start3A_76] : memref<8x64x128xf32, #tpu.memory_space<vmem>> -> memref<1x64x128xf32, #tpu.memory_space<vmem>>
    %dma_start3A_78 = tpu.memref_squeeze %dma_start3A_77 : memref<1x64x128xf32, #tpu.memory_space<vmem>> -> memref<64x128xf32, #tpu.memory_space<vmem>>
    %dma_start3A_79 = arith.constant 0 : i32
    %dma_start3A_80 = tpu.memref_slice %arg5[%dma_start3A_73, %dma_start3A_79] : memref<400x64xi32, #tpu.memory_space<vmem>> -> memref<1x64xi32, #tpu.memory_space<vmem>>
    %dma_start3A_81 = tpu.memref_squeeze %dma_start3A_80 : memref<1x64xi32, #tpu.memory_space<vmem>> -> memref<64xi32, #tpu.memory_space<vmem>>
    %dma_start3A_82 = arith.constant 0 : i32
    %dma_start3A_83 = arith.constant 0 : i32
    %dma_start3A_84 = tpu.memref_slice %arg6[%dma_start3A_82, %dma_start3A_83] : memref<200x128xf32, #tpu.memory_space<vmem_shared>> -> memref<200x128xf32, #tpu.memory_space<vmem_shared>>
    tpu.enqueue_indirect_dma source(%dma_start3A_84 : memref<200x128xf32, #tpu.memory_space<vmem_shared>>) target(%dma_start3A_78 : memref<64x128xf32, #tpu.memory_space<vmem>>) offsets(%dma_start3A_81 : memref<64xi32, #tpu.memory_space<vmem>>) semaphore(%arg13 : memref<!tpu.dma_semaphore, #tpu.memory_space<semaphore_mem>>)
    %dma_start3A_85 = arith.constant 6 : i32
    %dma_start3A_86 = arith.constant 6 : i32
    %dma_start3A_87 = arith.constant 0 : i32
    %dma_start3A_88 = arith.constant 0 : i32
    %dma_start3A_89 = tpu.memref_slice %arg7[%dma_start3A_86, %dma_start3A_87, %dma_start3A_88] : memref<8x64x128xf32, #tpu.memory_space<vmem>> -> memref<1x64x128xf32, #tpu.memory_space<vmem>>
    %dma_start3A_90 = tpu.memref_squeeze %dma_start3A_89 : memref<1x64x128xf32, #tpu.memory_space<vmem>> -> memref<64x128xf32, #tpu.memory_space<vmem>>
    %dma_start3A_91 = arith.constant 0 : i32
    %dma_start3A_92 = tpu.memref_slice %arg5[%dma_start3A_85, %dma_start3A_91] : memref<400x64xi32, #tpu.memory_space<vmem>> -> memref<1x64xi32, #tpu.memory_space<vmem>>
    %dma_start3A_93 = tpu.memref_squeeze %dma_start3A_92 : memref<1x64xi32, #tpu.memory_space<vmem>> -> memref<64xi32, #tpu.memory_space<vmem>>
    %dma_start3A_94 = arith.constant 0 : i32
    %dma_start3A_95 = arith.constant 0 : i32
    %dma_start3A_96 = tpu.memref_slice %arg6[%dma_start3A_94, %dma_start3A_95] : memref<200x128xf32, #tpu.memory_space<vmem_shared>> -> memref<200x128xf32, #tpu.memory_space<vmem_shared>>
    tpu.enqueue_indirect_dma source(%dma_start3A_96 : memref<200x128xf32, #tpu.memory_space<vmem_shared>>) target(%dma_start3A_90 : memref<64x128xf32, #tpu.memory_space<vmem>>) offsets(%dma_start3A_93 : memref<64xi32, #tpu.memory_space<vmem>>) semaphore(%arg14 : memref<!tpu.dma_semaphore, #tpu.memory_space<semaphore_mem>>)
    %dma_start3A_97 = arith.constant 7 : i32
    %dma_start3A_98 = arith.constant 7 : i32
    %dma_start3A_99 = arith.constant 0 : i32
    %dma_start3A_100 = arith.constant 0 : i32
    %dma_start3A_101 = tpu.memref_slice %arg7[%dma_start3A_98, %dma_start3A_99, %dma_start3A_100] : memref<8x64x128xf32, #tpu.memory_space<vmem>> -> memref<1x64x128xf32, #tpu.memory_space<vmem>>
    %dma_start3A_102 = tpu.memref_squeeze %dma_start3A_101 : memref<1x64x128xf32, #tpu.memory_space<vmem>> -> memref<64x128xf32, #tpu.memory_space<vmem>>
    %dma_start3A_103 = arith.constant 0 : i32
    %dma_start3A_104 = tpu.memref_slice %arg5[%dma_start3A_97, %dma_start3A_103] : memref<400x64xi32, #tpu.memory_space<vmem>> -> memref<1x64xi32, #tpu.memory_space<vmem>>
    %dma_start3A_105 = tpu.memref_squeeze %dma_start3A_104 : memref<1x64xi32, #tpu.memory_space<vmem>> -> memref<64xi32, #tpu.memory_space<vmem>>
    %dma_start3A_106 = arith.constant 0 : i32
    %dma_start3A_107 = arith.constant 0 : i32
    %dma_start3A_108 = tpu.memref_slice %arg6[%dma_start3A_106, %dma_start3A_107] : memref<200x128xf32, #tpu.memory_space<vmem_shared>> -> memref<200x128xf32, #tpu.memory_space<vmem_shared>>
    tpu.enqueue_indirect_dma source(%dma_start3A_108 : memref<200x128xf32, #tpu.memory_space<vmem_shared>>) target(%dma_start3A_102 : memref<64x128xf32, #tpu.memory_space<vmem>>) offsets(%dma_start3A_105 : memref<64xi32, #tpu.memory_space<vmem>>) semaphore(%arg15 : memref<!tpu.dma_semaphore, #tpu.memory_space<semaphore_mem>>)
    %scan3A = arith.constant 0 : i32
    %scan3A_109 = arith.constant 0 : i32
    %scan3A_110 = arith.constant 50 : i32
    %scan3A_111 = arith.addi %scan3A_109, %scan3A_110 : i32
    %scan3A_112 = arith.constant 1 : i32
    scf.for %scan3A_218 = %scan3A_109 to %scan3A_111 step %scan3A_112  : i32 {
      %mul3A_219 = arith.constant 8 : i32
      %mul3A_220 = arith.muli %scan3A_218, %mul3A_219 : i32
      %dma_wait3A_221 = arith.constant 0 : i32
      %dma_wait3A_222 = arith.constant 0 : i32
      %dma_wait3A_223 = arith.constant 0 : i32
      %dma_wait3A_224 = arith.constant 0 : i32
      %dma_wait3A_225 = tpu.memref_slice %arg7[%dma_wait3A_222, %dma_wait3A_223, %dma_wait3A_224] : memref<8x64x128xf32, #tpu.memory_space<vmem>> -> memref<1x64x128xf32, #tpu.memory_space<vmem>>
      %dma_wait3A_226 = tpu.memref_squeeze %dma_wait3A_225 : memref<1x64x128xf32, #tpu.memory_space<vmem>> -> memref<64x128xf32, #tpu.memory_space<vmem>>
      %dma_wait3A_227 = arith.constant 0 : i32
      %dma_wait3A_228 = tpu.memref_slice %arg5[%dma_wait3A_221, %dma_wait3A_227] : memref<400x64xi32, #tpu.memory_space<vmem>> -> memref<1x64xi32, #tpu.memory_space<vmem>>
      %dma_wait3A_229 = tpu.memref_squeeze %dma_wait3A_228 : memref<1x64xi32, #tpu.memory_space<vmem>> -> memref<64xi32, #tpu.memory_space<vmem>>
      %dma_wait3A_230 = arith.constant 0 : i32
      %dma_wait3A_231 = arith.constant 0 : i32
      %dma_wait3A_232 = tpu.memref_slice %arg6[%dma_wait3A_230, %dma_wait3A_231] : memref<200x128xf32, #tpu.memory_space<vmem_shared>> -> memref<200x128xf32, #tpu.memory_space<vmem_shared>>
      tpu.wait_indirect_dma semaphore(%arg8 : memref<!tpu.dma_semaphore, #tpu.memory_space<semaphore_mem>>) src(%dma_wait3A_232 : memref<200x128xf32, #tpu.memory_space<vmem_shared>>) dst(%dma_wait3A_226 : memref<64x128xf32, #tpu.memory_space<vmem>>)
      %add3A_233 = arith.constant 0 : i32
      %add3A_234 = arith.addi %mul3A_220, %add3A_233 : i32
      %mul3A_235 = arith.constant 64 : i32
      %mul3A_236 = arith.muli %add3A_234, %mul3A_235 : i32
      %add3A_237 = arith.addi %mul3A_2, %mul3A_236 : i32
      %dma_start3A_238 = arith.constant 0 : i32
      %dma_start3A_239 = arith.constant 0 : i32
      %dma_start3A_240 = arith.constant 0 : i32
      %dma_start3A_241 = tpu.memref_slice %arg7[%dma_start3A_238, %dma_start3A_239, %dma_start3A_240] : memref<8x64x128xf32, #tpu.memory_space<vmem>> -> memref<1x64x128xf32, #tpu.memory_space<vmem>>
      %dma_start3A_242 = tpu.memref_squeeze %dma_start3A_241 : memref<1x64x128xf32, #tpu.memory_space<vmem>> -> memref<64x128xf32, #tpu.memory_space<vmem>>
      %dma_start3A_243 = arith.constant 0 : i32
      %dma_start3A_244 = tpu.memref_slice %arg4[%add3A_237, %dma_start3A_243] : memref<819200x128xf32, #tpu.memory_space<hbm>> -> memref<64x128xf32, #tpu.memory_space<hbm>>
      %dma_start3A_245 = arith.constant 0 : i32
      %dma_start3A_246 = tpu.memref_slice %arg4[%add3A_237, %dma_start3A_245] : memref<819200x128xf32, #tpu.memory_space<hbm>> -> memref<64x128xf32, #tpu.memory_space<hbm>>
      %dma_start3A_247 = arith.constant 0 : i32
      %dma_start3A_248 = arith.constant 0 : i32
      %dma_start3A_249 = tpu.memref_slice %arg7[%dma_start3A_238, %dma_start3A_247, %dma_start3A_248] : memref<8x64x128xf32, #tpu.memory_space<vmem>> -> memref<1x64x128xf32, #tpu.memory_space<vmem>>
      %dma_start3A_250 = tpu.memref_squeeze %dma_start3A_249 : memref<1x64x128xf32, #tpu.memory_space<vmem>> -> memref<64x128xf32, #tpu.memory_space<vmem>>
      tpu.enqueue_dma source(%dma_start3A_250 : memref<64x128xf32, #tpu.memory_space<vmem>>) target(%dma_start3A_246 : memref<64x128xf32, #tpu.memory_space<hbm>>) target_semaphore(%arg16 : memref<!tpu.dma_semaphore, #tpu.memory_space<semaphore_mem>>)
      %dma_wait3A_251 = arith.constant 0 : i32
      %dma_wait3A_252 = arith.constant 1 : i32
      %dma_wait3A_253 = arith.constant 0 : i32
      %dma_wait3A_254 = arith.constant 0 : i32
      %dma_wait3A_255 = tpu.memref_slice %arg7[%dma_wait3A_252, %dma_wait3A_253, %dma_wait3A_254] : memref<8x64x128xf32, #tpu.memory_space<vmem>> -> memref<1x64x128xf32, #tpu.memory_space<vmem>>
      %dma_wait3A_256 = tpu.memref_squeeze %dma_wait3A_255 : memref<1x64x128xf32, #tpu.memory_space<vmem>> -> memref<64x128xf32, #tpu.memory_space<vmem>>
      %dma_wait3A_257 = arith.constant 0 : i32
      %dma_wait3A_258 = tpu.memref_slice %arg5[%dma_wait3A_251, %dma_wait3A_257] : memref<400x64xi32, #tpu.memory_space<vmem>> -> memref<1x64xi32, #tpu.memory_space<vmem>>
      %dma_wait3A_259 = tpu.memref_squeeze %dma_wait3A_258 : memref<1x64xi32, #tpu.memory_space<vmem>> -> memref<64xi32, #tpu.memory_space<vmem>>
      %dma_wait3A_260 = arith.constant 0 : i32
      %dma_wait3A_261 = arith.constant 0 : i32
      %dma_wait3A_262 = tpu.memref_slice %arg6[%dma_wait3A_260, %dma_wait3A_261] : memref<200x128xf32, #tpu.memory_space<vmem_shared>> -> memref<200x128xf32, #tpu.memory_space<vmem_shared>>
      tpu.wait_indirect_dma semaphore(%arg9 : memref<!tpu.dma_semaphore, #tpu.memory_space<semaphore_mem>>) src(%dma_wait3A_262 : memref<200x128xf32, #tpu.memory_space<vmem_shared>>) dst(%dma_wait3A_256 : memref<64x128xf32, #tpu.memory_space<vmem>>)
      %add3A_263 = arith.constant 1 : i32
      %add3A_264 = arith.addi %mul3A_220, %add3A_263 : i32
      %mul3A_265 = arith.constant 64 : i32
      %mul3A_266 = arith.muli %add3A_264, %mul3A_265 : i32
      %add3A_267 = arith.addi %mul3A_2, %mul3A_266 : i32
      %dma_start3A_268 = arith.constant 1 : i32
      %dma_start3A_269 = arith.constant 0 : i32
      %dma_start3A_270 = arith.constant 0 : i32
      %dma_start3A_271 = tpu.memref_slice %arg7[%dma_start3A_268, %dma_start3A_269, %dma_start3A_270] : memref<8x64x128xf32, #tpu.memory_space<vmem>> -> memref<1x64x128xf32, #tpu.memory_space<vmem>>
      %dma_start3A_272 = tpu.memref_squeeze %dma_start3A_271 : memref<1x64x128xf32, #tpu.memory_space<vmem>> -> memref<64x128xf32, #tpu.memory_space<vmem>>
      %dma_start3A_273 = arith.constant 0 : i32
      %dma_start3A_274 = tpu.memref_slice %arg4[%add3A_267, %dma_start3A_273] : memref<819200x128xf32, #tpu.memory_space<hbm>> -> memref<64x128xf32, #tpu.memory_space<hbm>>
      %dma_start3A_275 = arith.constant 0 : i32
      %dma_start3A_276 = tpu.memref_slice %arg4[%add3A_267, %dma_start3A_275] : memref<819200x128xf32, #tpu.memory_space<hbm>> -> memref<64x128xf32, #tpu.memory_space<hbm>>
      %dma_start3A_277 = arith.constant 0 : i32
      %dma_start3A_278 = arith.constant 0 : i32
      %dma_start3A_279 = tpu.memref_slice %arg7[%dma_start3A_268, %dma_start3A_277, %dma_start3A_278] : memref<8x64x128xf32, #tpu.memory_space<vmem>> -> memref<1x64x128xf32, #tpu.memory_space<vmem>>
      %dma_start3A_280 = tpu.memref_squeeze %dma_start3A_279 : memref<1x64x128xf32, #tpu.memory_space<vmem>> -> memref<64x128xf32, #tpu.memory_space<vmem>>
      tpu.enqueue_dma source(%dma_start3A_280 : memref<64x128xf32, #tpu.memory_space<vmem>>) target(%dma_start3A_276 : memref<64x128xf32, #tpu.memory_space<hbm>>) target_semaphore(%arg17 : memref<!tpu.dma_semaphore, #tpu.memory_space<semaphore_mem>>)
      %dma_wait3A_281 = arith.constant 0 : i32
      %dma_wait3A_282 = arith.constant 2 : i32
      %dma_wait3A_283 = arith.constant 0 : i32
      %dma_wait3A_284 = arith.constant 0 : i32
      %dma_wait3A_285 = tpu.memref_slice %arg7[%dma_wait3A_282, %dma_wait3A_283, %dma_wait3A_284] : memref<8x64x128xf32, #tpu.memory_space<vmem>> -> memref<1x64x128xf32, #tpu.memory_space<vmem>>
      %dma_wait3A_286 = tpu.memref_squeeze %dma_wait3A_285 : memref<1x64x128xf32, #tpu.memory_space<vmem>> -> memref<64x128xf32, #tpu.memory_space<vmem>>
      %dma_wait3A_287 = arith.constant 0 : i32
      %dma_wait3A_288 = tpu.memref_slice %arg5[%dma_wait3A_281, %dma_wait3A_287] : memref<400x64xi32, #tpu.memory_space<vmem>> -> memref<1x64xi32, #tpu.memory_space<vmem>>
      %dma_wait3A_289 = tpu.memref_squeeze %dma_wait3A_288 : memref<1x64xi32, #tpu.memory_space<vmem>> -> memref<64xi32, #tpu.memory_space<vmem>>
      %dma_wait3A_290 = arith.constant 0 : i32
      %dma_wait3A_291 = arith.constant 0 : i32
      %dma_wait3A_292 = tpu.memref_slice %arg6[%dma_wait3A_290, %dma_wait3A_291] : memref<200x128xf32, #tpu.memory_space<vmem_shared>> -> memref<200x128xf32, #tpu.memory_space<vmem_shared>>
      tpu.wait_indirect_dma semaphore(%arg10 : memref<!tpu.dma_semaphore, #tpu.memory_space<semaphore_mem>>) src(%dma_wait3A_292 : memref<200x128xf32, #tpu.memory_space<vmem_shared>>) dst(%dma_wait3A_286 : memref<64x128xf32, #tpu.memory_space<vmem>>)
      %add3A_293 = arith.constant 2 : i32
      %add3A_294 = arith.addi %mul3A_220, %add3A_293 : i32
      %mul3A_295 = arith.constant 64 : i32
      %mul3A_296 = arith.muli %add3A_294, %mul3A_295 : i32
      %add3A_297 = arith.addi %mul3A_2, %mul3A_296 : i32
      %dma_start3A_298 = arith.constant 2 : i32
      %dma_start3A_299 = arith.constant 0 : i32
      %dma_start3A_300 = arith.constant 0 : i32
      %dma_start3A_301 = tpu.memref_slice %arg7[%dma_start3A_298, %dma_start3A_299, %dma_start3A_300] : memref<8x64x128xf32, #tpu.memory_space<vmem>> -> memref<1x64x128xf32, #tpu.memory_space<vmem>>
      %dma_start3A_302 = tpu.memref_squeeze %dma_start3A_301 : memref<1x64x128xf32, #tpu.memory_space<vmem>> -> memref<64x128xf32, #tpu.memory_space<vmem>>
      %dma_start3A_303 = arith.constant 0 : i32
      %dma_start3A_304 = tpu.memref_slice %arg4[%add3A_297, %dma_start3A_303] : memref<819200x128xf32, #tpu.memory_space<hbm>> -> memref<64x128xf32, #tpu.memory_space<hbm>>
      %dma_start3A_305 = arith.constant 0 : i32
      %dma_start3A_306 = tpu.memref_slice %arg4[%add3A_297, %dma_start3A_305] : memref<819200x128xf32, #tpu.memory_space<hbm>> -> memref<64x128xf32, #tpu.memory_space<hbm>>
      %dma_start3A_307 = arith.constant 0 : i32
      %dma_start3A_308 = arith.constant 0 : i32
      %dma_start3A_309 = tpu.memref_slice %arg7[%dma_start3A_298, %dma_start3A_307, %dma_start3A_308] : memref<8x64x128xf32, #tpu.memory_space<vmem>> -> memref<1x64x128xf32, #tpu.memory_space<vmem>>
      %dma_start3A_310 = tpu.memref_squeeze %dma_start3A_309 : memref<1x64x128xf32, #tpu.memory_space<vmem>> -> memref<64x128xf32, #tpu.memory_space<vmem>>
      tpu.enqueue_dma source(%dma_start3A_310 : memref<64x128xf32, #tpu.memory_space<vmem>>) target(%dma_start3A_306 : memref<64x128xf32, #tpu.memory_space<hbm>>) target_semaphore(%arg18 : memref<!tpu.dma_semaphore, #tpu.memory_space<semaphore_mem>>)
      %dma_wait3A_311 = arith.constant 0 : i32
      %dma_wait3A_312 = arith.constant 3 : i32
      %dma_wait3A_313 = arith.constant 0 : i32
      %dma_wait3A_314 = arith.constant 0 : i32
      %dma_wait3A_315 = tpu.memref_slice %arg7[%dma_wait3A_312, %dma_wait3A_313, %dma_wait3A_314] : memref<8x64x128xf32, #tpu.memory_space<vmem>> -> memref<1x64x128xf32, #tpu.memory_space<vmem>>
      %dma_wait3A_316 = tpu.memref_squeeze %dma_wait3A_315 : memref<1x64x128xf32, #tpu.memory_space<vmem>> -> memref<64x128xf32, #tpu.memory_space<vmem>>
      %dma_wait3A_317 = arith.constant 0 : i32
      %dma_wait3A_318 = tpu.memref_slice %arg5[%dma_wait3A_311, %dma_wait3A_317] : memref<400x64xi32, #tpu.memory_space<vmem>> -> memref<1x64xi32, #tpu.memory_space<vmem>>
      %dma_wait3A_319 = tpu.memref_squeeze %dma_wait3A_318 : memref<1x64xi32, #tpu.memory_space<vmem>> -> memref<64xi32, #tpu.memory_space<vmem>>
      %dma_wait3A_320 = arith.constant 0 : i32
      %dma_wait3A_321 = arith.constant 0 : i32
      %dma_wait3A_322 = tpu.memref_slice %arg6[%dma_wait3A_320, %dma_wait3A_321] : memref<200x128xf32, #tpu.memory_space<vmem_shared>> -> memref<200x128xf32, #tpu.memory_space<vmem_shared>>
      tpu.wait_indirect_dma semaphore(%arg11 : memref<!tpu.dma_semaphore, #tpu.memory_space<semaphore_mem>>) src(%dma_wait3A_322 : memref<200x128xf32, #tpu.memory_space<vmem_shared>>) dst(%dma_wait3A_316 : memref<64x128xf32, #tpu.memory_space<vmem>>)
      %add3A_323 = arith.constant 3 : i32
      %add3A_324 = arith.addi %mul3A_220, %add3A_323 : i32
      %mul3A_325 = arith.constant 64 : i32
      %mul3A_326 = arith.muli %add3A_324, %mul3A_325 : i32
      %add3A_327 = arith.addi %mul3A_2, %mul3A_326 : i32
      %dma_start3A_328 = arith.constant 3 : i32
      %dma_start3A_329 = arith.constant 0 : i32
      %dma_start3A_330 = arith.constant 0 : i32
      %dma_start3A_331 = tpu.memref_slice %arg7[%dma_start3A_328, %dma_start3A_329, %dma_start3A_330] : memref<8x64x128xf32, #tpu.memory_space<vmem>> -> memref<1x64x128xf32, #tpu.memory_space<vmem>>
      %dma_start3A_332 = tpu.memref_squeeze %dma_start3A_331 : memref<1x64x128xf32, #tpu.memory_space<vmem>> -> memref<64x128xf32, #tpu.memory_space<vmem>>
      %dma_start3A_333 = arith.constant 0 : i32
      %dma_start3A_334 = tpu.memref_slice %arg4[%add3A_327, %dma_start3A_333] : memref<819200x128xf32, #tpu.memory_space<hbm>> -> memref<64x128xf32, #tpu.memory_space<hbm>>
      %dma_start3A_335 = arith.constant 0 : i32
      %dma_start3A_336 = tpu.memref_slice %arg4[%add3A_327, %dma_start3A_335] : memref<819200x128xf32, #tpu.memory_space<hbm>> -> memref<64x128xf32, #tpu.memory_space<hbm>>
      %dma_start3A_337 = arith.constant 0 : i32
      %dma_start3A_338 = arith.constant 0 : i32
      %dma_start3A_339 = tpu.memref_slice %arg7[%dma_start3A_328, %dma_start3A_337, %dma_start3A_338] : memref<8x64x128xf32, #tpu.memory_space<vmem>> -> memref<1x64x128xf32, #tpu.memory_space<vmem>>
      %dma_start3A_340 = tpu.memref_squeeze %dma_start3A_339 : memref<1x64x128xf32, #tpu.memory_space<vmem>> -> memref<64x128xf32, #tpu.memory_space<vmem>>
      tpu.enqueue_dma source(%dma_start3A_340 : memref<64x128xf32, #tpu.memory_space<vmem>>) target(%dma_start3A_336 : memref<64x128xf32, #tpu.memory_space<hbm>>) target_semaphore(%arg19 : memref<!tpu.dma_semaphore, #tpu.memory_space<semaphore_mem>>)
      %dma_wait3A_341 = arith.constant 0 : i32
      %dma_wait3A_342 = arith.constant 4 : i32
      %dma_wait3A_343 = arith.constant 0 : i32
      %dma_wait3A_344 = arith.constant 0 : i32
      %dma_wait3A_345 = tpu.memref_slice %arg7[%dma_wait3A_342, %dma_wait3A_343, %dma_wait3A_344] : memref<8x64x128xf32, #tpu.memory_space<vmem>> -> memref<1x64x128xf32, #tpu.memory_space<vmem>>
      %dma_wait3A_346 = tpu.memref_squeeze %dma_wait3A_345 : memref<1x64x128xf32, #tpu.memory_space<vmem>> -> memref<64x128xf32, #tpu.memory_space<vmem>>
      %dma_wait3A_347 = arith.constant 0 : i32
      %dma_wait3A_348 = tpu.memref_slice %arg5[%dma_wait3A_341, %dma_wait3A_347] : memref<400x64xi32, #tpu.memory_space<vmem>> -> memref<1x64xi32, #tpu.memory_space<vmem>>
      %dma_wait3A_349 = tpu.memref_squeeze %dma_wait3A_348 : memref<1x64xi32, #tpu.memory_space<vmem>> -> memref<64xi32, #tpu.memory_space<vmem>>
      %dma_wait3A_350 = arith.constant 0 : i32
      %dma_wait3A_351 = arith.constant 0 : i32
      %dma_wait3A_352 = tpu.memref_slice %arg6[%dma_wait3A_350, %dma_wait3A_351] : memref<200x128xf32, #tpu.memory_space<vmem_shared>> -> memref<200x128xf32, #tpu.memory_space<vmem_shared>>
      tpu.wait_indirect_dma semaphore(%arg12 : memref<!tpu.dma_semaphore, #tpu.memory_space<semaphore_mem>>) src(%dma_wait3A_352 : memref<200x128xf32, #tpu.memory_space<vmem_shared>>) dst(%dma_wait3A_346 : memref<64x128xf32, #tpu.memory_space<vmem>>)
      %add3A_353 = arith.constant 4 : i32
      %add3A_354 = arith.addi %mul3A_220, %add3A_353 : i32
      %mul3A_355 = arith.constant 64 : i32
      %mul3A_356 = arith.muli %add3A_354, %mul3A_355 : i32
      %add3A_357 = arith.addi %mul3A_2, %mul3A_356 : i32
      %dma_start3A_358 = arith.constant 4 : i32
      %dma_start3A_359 = arith.constant 0 : i32
      %dma_start3A_360 = arith.constant 0 : i32
      %dma_start3A_361 = tpu.memref_slice %arg7[%dma_start3A_358, %dma_start3A_359, %dma_start3A_360] : memref<8x64x128xf32, #tpu.memory_space<vmem>> -> memref<1x64x128xf32, #tpu.memory_space<vmem>>
      %dma_start3A_362 = tpu.memref_squeeze %dma_start3A_361 : memref<1x64x128xf32, #tpu.memory_space<vmem>> -> memref<64x128xf32, #tpu.memory_space<vmem>>
      %dma_start3A_363 = arith.constant 0 : i32
      %dma_start3A_364 = tpu.memref_slice %arg4[%add3A_357, %dma_start3A_363] : memref<819200x128xf32, #tpu.memory_space<hbm>> -> memref<64x128xf32, #tpu.memory_space<hbm>>
      %dma_start3A_365 = arith.constant 0 : i32
      %dma_start3A_366 = tpu.memref_slice %arg4[%add3A_357, %dma_start3A_365] : memref<819200x128xf32, #tpu.memory_space<hbm>> -> memref<64x128xf32, #tpu.memory_space<hbm>>
      %dma_start3A_367 = arith.constant 0 : i32
      %dma_start3A_368 = arith.constant 0 : i32
      %dma_start3A_369 = tpu.memref_slice %arg7[%dma_start3A_358, %dma_start3A_367, %dma_start3A_368] : memref<8x64x128xf32, #tpu.memory_space<vmem>> -> memref<1x64x128xf32, #tpu.memory_space<vmem>>
      %dma_start3A_370 = tpu.memref_squeeze %dma_start3A_369 : memref<1x64x128xf32, #tpu.memory_space<vmem>> -> memref<64x128xf32, #tpu.memory_space<vmem>>
      tpu.enqueue_dma source(%dma_start3A_370 : memref<64x128xf32, #tpu.memory_space<vmem>>) target(%dma_start3A_366 : memref<64x128xf32, #tpu.memory_space<hbm>>) target_semaphore(%arg20 : memref<!tpu.dma_semaphore, #tpu.memory_space<semaphore_mem>>)
      %dma_wait3A_371 = arith.constant 0 : i32
      %dma_wait3A_372 = arith.constant 5 : i32
      %dma_wait3A_373 = arith.constant 0 : i32
      %dma_wait3A_374 = arith.constant 0 : i32
      %dma_wait3A_375 = tpu.memref_slice %arg7[%dma_wait3A_372, %dma_wait3A_373, %dma_wait3A_374] : memref<8x64x128xf32, #tpu.memory_space<vmem>> -> memref<1x64x128xf32, #tpu.memory_space<vmem>>
      %dma_wait3A_376 = tpu.memref_squeeze %dma_wait3A_375 : memref<1x64x128xf32, #tpu.memory_space<vmem>> -> memref<64x128xf32, #tpu.memory_space<vmem>>
      %dma_wait3A_377 = arith.constant 0 : i32
      %dma_wait3A_378 = tpu.memref_slice %arg5[%dma_wait3A_371, %dma_wait3A_377] : memref<400x64xi32, #tpu.memory_space<vmem>> -> memref<1x64xi32, #tpu.memory_space<vmem>>
      %dma_wait3A_379 = tpu.memref_squeeze %dma_wait3A_378 : memref<1x64xi32, #tpu.memory_space<vmem>> -> memref<64xi32, #tpu.memory_space<vmem>>
      %dma_wait3A_380 = arith.constant 0 : i32
      %dma_wait3A_381 = arith.constant 0 : i32
      %dma_wait3A_382 = tpu.memref_slice %arg6[%dma_wait3A_380, %dma_wait3A_381] : memref<200x128xf32, #tpu.memory_space<vmem_shared>> -> memref<200x128xf32, #tpu.memory_space<vmem_shared>>
      tpu.wait_indirect_dma semaphore(%arg13 : memref<!tpu.dma_semaphore, #tpu.memory_space<semaphore_mem>>) src(%dma_wait3A_382 : memref<200x128xf32, #tpu.memory_space<vmem_shared>>) dst(%dma_wait3A_376 : memref<64x128xf32, #tpu.memory_space<vmem>>)
      %add3A_383 = arith.constant 5 : i32
      %add3A_384 = arith.addi %mul3A_220, %add3A_383 : i32
      %mul3A_385 = arith.constant 64 : i32
      %mul3A_386 = arith.muli %add3A_384, %mul3A_385 : i32
      %add3A_387 = arith.addi %mul3A_2, %mul3A_386 : i32
      %dma_start3A_388 = arith.constant 5 : i32
      %dma_start3A_389 = arith.constant 0 : i32
      %dma_start3A_390 = arith.constant 0 : i32
      %dma_start3A_391 = tpu.memref_slice %arg7[%dma_start3A_388, %dma_start3A_389, %dma_start3A_390] : memref<8x64x128xf32, #tpu.memory_space<vmem>> -> memref<1x64x128xf32, #tpu.memory_space<vmem>>
      %dma_start3A_392 = tpu.memref_squeeze %dma_start3A_391 : memref<1x64x128xf32, #tpu.memory_space<vmem>> -> memref<64x128xf32, #tpu.memory_space<vmem>>
      %dma_start3A_393 = arith.constant 0 : i32
      %dma_start3A_394 = tpu.memref_slice %arg4[%add3A_387, %dma_start3A_393] : memref<819200x128xf32, #tpu.memory_space<hbm>> -> memref<64x128xf32, #tpu.memory_space<hbm>>
      %dma_start3A_395 = arith.constant 0 : i32
      %dma_start3A_396 = tpu.memref_slice %arg4[%add3A_387, %dma_start3A_395] : memref<819200x128xf32, #tpu.memory_space<hbm>> -> memref<64x128xf32, #tpu.memory_space<hbm>>
      %dma_start3A_397 = arith.constant 0 : i32
      %dma_start3A_398 = arith.constant 0 : i32
      %dma_start3A_399 = tpu.memref_slice %arg7[%dma_start3A_388, %dma_start3A_397, %dma_start3A_398] : memref<8x64x128xf32, #tpu.memory_space<vmem>> -> memref<1x64x128xf32, #tpu.memory_space<vmem>>
      %dma_start3A_400 = tpu.memref_squeeze %dma_start3A_399 : memref<1x64x128xf32, #tpu.memory_space<vmem>> -> memref<64x128xf32, #tpu.memory_space<vmem>>
      tpu.enqueue_dma source(%dma_start3A_400 : memref<64x128xf32, #tpu.memory_space<vmem>>) target(%dma_start3A_396 : memref<64x128xf32, #tpu.memory_space<hbm>>) target_semaphore(%arg21 : memref<!tpu.dma_semaphore, #tpu.memory_space<semaphore_mem>>)
      %dma_wait3A_401 = arith.constant 0 : i32
      %dma_wait3A_402 = arith.constant 6 : i32
      %dma_wait3A_403 = arith.constant 0 : i32
      %dma_wait3A_404 = arith.constant 0 : i32
      %dma_wait3A_405 = tpu.memref_slice %arg7[%dma_wait3A_402, %dma_wait3A_403, %dma_wait3A_404] : memref<8x64x128xf32, #tpu.memory_space<vmem>> -> memref<1x64x128xf32, #tpu.memory_space<vmem>>
      %dma_wait3A_406 = tpu.memref_squeeze %dma_wait3A_405 : memref<1x64x128xf32, #tpu.memory_space<vmem>> -> memref<64x128xf32, #tpu.memory_space<vmem>>
      %dma_wait3A_407 = arith.constant 0 : i32
      %dma_wait3A_408 = tpu.memref_slice %arg5[%dma_wait3A_401, %dma_wait3A_407] : memref<400x64xi32, #tpu.memory_space<vmem>> -> memref<1x64xi32, #tpu.memory_space<vmem>>
      %dma_wait3A_409 = tpu.memref_squeeze %dma_wait3A_408 : memref<1x64xi32, #tpu.memory_space<vmem>> -> memref<64xi32, #tpu.memory_space<vmem>>
      %dma_wait3A_410 = arith.constant 0 : i32
      %dma_wait3A_411 = arith.constant 0 : i32
      %dma_wait3A_412 = tpu.memref_slice %arg6[%dma_wait3A_410, %dma_wait3A_411] : memref<200x128xf32, #tpu.memory_space<vmem_shared>> -> memref<200x128xf32, #tpu.memory_space<vmem_shared>>
      tpu.wait_indirect_dma semaphore(%arg14 : memref<!tpu.dma_semaphore, #tpu.memory_space<semaphore_mem>>) src(%dma_wait3A_412 : memref<200x128xf32, #tpu.memory_space<vmem_shared>>) dst(%dma_wait3A_406 : memref<64x128xf32, #tpu.memory_space<vmem>>)
      %add3A_413 = arith.constant 6 : i32
      %add3A_414 = arith.addi %mul3A_220, %add3A_413 : i32
      %mul3A_415 = arith.constant 64 : i32
      %mul3A_416 = arith.muli %add3A_414, %mul3A_415 : i32
      %add3A_417 = arith.addi %mul3A_2, %mul3A_416 : i32
      %dma_start3A_418 = arith.constant 6 : i32
      %dma_start3A_419 = arith.constant 0 : i32
      %dma_start3A_420 = arith.constant 0 : i32
      %dma_start3A_421 = tpu.memref_slice %arg7[%dma_start3A_418, %dma_start3A_419, %dma_start3A_420] : memref<8x64x128xf32, #tpu.memory_space<vmem>> -> memref<1x64x128xf32, #tpu.memory_space<vmem>>
      %dma_start3A_422 = tpu.memref_squeeze %dma_start3A_421 : memref<1x64x128xf32, #tpu.memory_space<vmem>> -> memref<64x128xf32, #tpu.memory_space<vmem>>
      %dma_start3A_423 = arith.constant 0 : i32
      %dma_start3A_424 = tpu.memref_slice %arg4[%add3A_417, %dma_start3A_423] : memref<819200x128xf32, #tpu.memory_space<hbm>> -> memref<64x128xf32, #tpu.memory_space<hbm>>
      %dma_start3A_425 = arith.constant 0 : i32
      %dma_start3A_426 = tpu.memref_slice %arg4[%add3A_417, %dma_start3A_425] : memref<819200x128xf32, #tpu.memory_space<hbm>> -> memref<64x128xf32, #tpu.memory_space<hbm>>
      %dma_start3A_427 = arith.constant 0 : i32
      %dma_start3A_428 = arith.constant 0 : i32
      %dma_start3A_429 = tpu.memref_slice %arg7[%dma_start3A_418, %dma_start3A_427, %dma_start3A_428] : memref<8x64x128xf32, #tpu.memory_space<vmem>> -> memref<1x64x128xf32, #tpu.memory_space<vmem>>
      %dma_start3A_430 = tpu.memref_squeeze %dma_start3A_429 : memref<1x64x128xf32, #tpu.memory_space<vmem>> -> memref<64x128xf32, #tpu.memory_space<vmem>>
      tpu.enqueue_dma source(%dma_start3A_430 : memref<64x128xf32, #tpu.memory_space<vmem>>) target(%dma_start3A_426 : memref<64x128xf32, #tpu.memory_space<hbm>>) target_semaphore(%arg22 : memref<!tpu.dma_semaphore, #tpu.memory_space<semaphore_mem>>)
      %dma_wait3A_431 = arith.constant 0 : i32
      %dma_wait3A_432 = arith.constant 7 : i32
      %dma_wait3A_433 = arith.constant 0 : i32
      %dma_wait3A_434 = arith.constant 0 : i32
      %dma_wait3A_435 = tpu.memref_slice %arg7[%dma_wait3A_432, %dma_wait3A_433, %dma_wait3A_434] : memref<8x64x128xf32, #tpu.memory_space<vmem>> -> memref<1x64x128xf32, #tpu.memory_space<vmem>>
      %dma_wait3A_436 = tpu.memref_squeeze %dma_wait3A_435 : memref<1x64x128xf32, #tpu.memory_space<vmem>> -> memref<64x128xf32, #tpu.memory_space<vmem>>
      %dma_wait3A_437 = arith.constant 0 : i32
      %dma_wait3A_438 = tpu.memref_slice %arg5[%dma_wait3A_431, %dma_wait3A_437] : memref<400x64xi32, #tpu.memory_space<vmem>> -> memref<1x64xi32, #tpu.memory_space<vmem>>
      %dma_wait3A_439 = tpu.memref_squeeze %dma_wait3A_438 : memref<1x64xi32, #tpu.memory_space<vmem>> -> memref<64xi32, #tpu.memory_space<vmem>>
      %dma_wait3A_440 = arith.constant 0 : i32
      %dma_wait3A_441 = arith.constant 0 : i32
      %dma_wait3A_442 = tpu.memref_slice %arg6[%dma_wait3A_440, %dma_wait3A_441] : memref<200x128xf32, #tpu.memory_space<vmem_shared>> -> memref<200x128xf32, #tpu.memory_space<vmem_shared>>
      tpu.wait_indirect_dma semaphore(%arg15 : memref<!tpu.dma_semaphore, #tpu.memory_space<semaphore_mem>>) src(%dma_wait3A_442 : memref<200x128xf32, #tpu.memory_space<vmem_shared>>) dst(%dma_wait3A_436 : memref<64x128xf32, #tpu.memory_space<vmem>>)
      %add3A_443 = arith.constant 7 : i32
      %add3A_444 = arith.addi %mul3A_220, %add3A_443 : i32
      %mul3A_445 = arith.constant 64 : i32
      %mul3A_446 = arith.muli %add3A_444, %mul3A_445 : i32
      %add3A_447 = arith.addi %mul3A_2, %mul3A_446 : i32
      %dma_start3A_448 = arith.constant 7 : i32
      %dma_start3A_449 = arith.constant 0 : i32
      %dma_start3A_450 = arith.constant 0 : i32
      %dma_start3A_451 = tpu.memref_slice %arg7[%dma_start3A_448, %dma_start3A_449, %dma_start3A_450] : memref<8x64x128xf32, #tpu.memory_space<vmem>> -> memref<1x64x128xf32, #tpu.memory_space<vmem>>
      %dma_start3A_452 = tpu.memref_squeeze %dma_start3A_451 : memref<1x64x128xf32, #tpu.memory_space<vmem>> -> memref<64x128xf32, #tpu.memory_space<vmem>>
      %dma_start3A_453 = arith.constant 0 : i32
      %dma_start3A_454 = tpu.memref_slice %arg4[%add3A_447, %dma_start3A_453] : memref<819200x128xf32, #tpu.memory_space<hbm>> -> memref<64x128xf32, #tpu.memory_space<hbm>>
      %dma_start3A_455 = arith.constant 0 : i32
      %dma_start3A_456 = tpu.memref_slice %arg4[%add3A_447, %dma_start3A_455] : memref<819200x128xf32, #tpu.memory_space<hbm>> -> memref<64x128xf32, #tpu.memory_space<hbm>>
      %dma_start3A_457 = arith.constant 0 : i32
      %dma_start3A_458 = arith.constant 0 : i32
      %dma_start3A_459 = tpu.memref_slice %arg7[%dma_start3A_448, %dma_start3A_457, %dma_start3A_458] : memref<8x64x128xf32, #tpu.memory_space<vmem>> -> memref<1x64x128xf32, #tpu.memory_space<vmem>>
      %dma_start3A_460 = tpu.memref_squeeze %dma_start3A_459 : memref<1x64x128xf32, #tpu.memory_space<vmem>> -> memref<64x128xf32, #tpu.memory_space<vmem>>
      tpu.enqueue_dma source(%dma_start3A_460 : memref<64x128xf32, #tpu.memory_space<vmem>>) target(%dma_start3A_456 : memref<64x128xf32, #tpu.memory_space<hbm>>) target_semaphore(%arg23 : memref<!tpu.dma_semaphore, #tpu.memory_space<semaphore_mem>>)
      %lt3A = arith.constant 49 : i32
      %lt3A_461 = arith.cmpi slt, %scan3A_218, %lt3A : i32
      %convert_element_type3A_462 = arith.extui %lt3A_461 : i1 to i32
      %cond3A_463 = arith.constant 0 : i32
      %cond3A_464 = arith.cmpi ne, %convert_element_type3A_462, %cond3A_463 : i32
      scf.if %cond3A_464 {
        %dma_wait3A_465 = arith.constant 0 : i32
        %dma_wait3A_466 = arith.constant 0 : i32
        %dma_wait3A_467 = arith.constant 0 : i32
        %dma_wait3A_468 = tpu.memref_slice %arg7[%dma_wait3A_465, %dma_wait3A_466, %dma_wait3A_467] : memref<8x64x128xf32, #tpu.memory_space<vmem>> -> memref<1x64x128xf32, #tpu.memory_space<vmem>>
        %dma_wait3A_469 = tpu.memref_squeeze %dma_wait3A_468 : memref<1x64x128xf32, #tpu.memory_space<vmem>> -> memref<64x128xf32, #tpu.memory_space<vmem>>
        %dma_wait3A_470 = arith.constant 0 : i32
        %dma_wait3A_471 = tpu.memref_slice %arg4[%mul3A_2, %dma_wait3A_470] : memref<819200x128xf32, #tpu.memory_space<hbm>> -> memref<64x128xf32, #tpu.memory_space<hbm>>
        %dma_wait3A_472 = arith.constant 0 : i32
        %dma_wait3A_473 = tpu.memref_slice %arg4[%mul3A_2, %dma_wait3A_472] : memref<819200x128xf32, #tpu.memory_space<hbm>> -> memref<64x128xf32, #tpu.memory_space<hbm>>
        %dma_wait3A_474 = arith.constant 0 : i32
        %dma_wait3A_475 = arith.constant 0 : i32
        %dma_wait3A_476 = tpu.memref_slice %arg7[%dma_wait3A_465, %dma_wait3A_474, %dma_wait3A_475] : memref<8x64x128xf32, #tpu.memory_space<vmem>> -> memref<1x64x128xf32, #tpu.memory_space<vmem>>
        %dma_wait3A_477 = tpu.memref_squeeze %dma_wait3A_476 : memref<1x64x128xf32, #tpu.memory_space<vmem>> -> memref<64x128xf32, #tpu.memory_space<vmem>>
        tpu.wait_dma2 semaphore(%arg16 : memref<!tpu.dma_semaphore, #tpu.memory_space<semaphore_mem>>) src(%dma_wait3A_477 : memref<64x128xf32, #tpu.memory_space<vmem>>) dst(%dma_wait3A_473 : memref<64x128xf32, #tpu.memory_space<hbm>>)
        %add3A_478 = arith.constant 8 : i32
        %add3A_479 = arith.addi %mul3A_220, %add3A_478 : i32
        %add3A_480 = arith.constant 0 : i32
        %add3A_481 = arith.addi %add3A_479, %add3A_480 : i32
        %dma_start3A_482 = arith.constant 0 : i32
        %dma_start3A_483 = arith.constant 0 : i32
        %dma_start3A_484 = arith.constant 0 : i32
        %dma_start3A_485 = tpu.memref_slice %arg7[%dma_start3A_482, %dma_start3A_483, %dma_start3A_484] : memref<8x64x128xf32, #tpu.memory_space<vmem>> -> memref<1x64x128xf32, #tpu.memory_space<vmem>>
        %dma_start3A_486 = tpu.memref_squeeze %dma_start3A_485 : memref<1x64x128xf32, #tpu.memory_space<vmem>> -> memref<64x128xf32, #tpu.memory_space<vmem>>
        %dma_start3A_487 = arith.constant 0 : i32
        %dma_start3A_488 = tpu.memref_slice %arg5[%add3A_481, %dma_start3A_487] : memref<400x64xi32, #tpu.memory_space<vmem>> -> memref<1x64xi32, #tpu.memory_space<vmem>>
        %dma_start3A_489 = tpu.memref_squeeze %dma_start3A_488 : memref<1x64xi32, #tpu.memory_space<vmem>> -> memref<64xi32, #tpu.memory_space<vmem>>
        %dma_start3A_490 = arith.constant 0 : i32
        %dma_start3A_491 = arith.constant 0 : i32
        %dma_start3A_492 = tpu.memref_slice %arg6[%dma_start3A_490, %dma_start3A_491] : memref<200x128xf32, #tpu.memory_space<vmem_shared>> -> memref<200x128xf32, #tpu.memory_space<vmem_shared>>
        tpu.enqueue_indirect_dma source(%dma_start3A_492 : memref<200x128xf32, #tpu.memory_space<vmem_shared>>) target(%dma_start3A_486 : memref<64x128xf32, #tpu.memory_space<vmem>>) offsets(%dma_start3A_489 : memref<64xi32, #tpu.memory_space<vmem>>) semaphore(%arg8 : memref<!tpu.dma_semaphore, #tpu.memory_space<semaphore_mem>>)
        %dma_wait3A_493 = arith.constant 1 : i32
        %dma_wait3A_494 = arith.constant 0 : i32
        %dma_wait3A_495 = arith.constant 0 : i32
        %dma_wait3A_496 = tpu.memref_slice %arg7[%dma_wait3A_493, %dma_wait3A_494, %dma_wait3A_495] : memref<8x64x128xf32, #tpu.memory_space<vmem>> -> memref<1x64x128xf32, #tpu.memory_space<vmem>>
        %dma_wait3A_497 = tpu.memref_squeeze %dma_wait3A_496 : memref<1x64x128xf32, #tpu.memory_space<vmem>> -> memref<64x128xf32, #tpu.memory_space<vmem>>
        %dma_wait3A_498 = arith.constant 0 : i32
        %dma_wait3A_499 = tpu.memref_slice %arg4[%mul3A_2, %dma_wait3A_498] : memref<819200x128xf32, #tpu.memory_space<hbm>> -> memref<64x128xf32, #tpu.memory_space<hbm>>
        %dma_wait3A_500 = arith.constant 0 : i32
        %dma_wait3A_501 = tpu.memref_slice %arg4[%mul3A_2, %dma_wait3A_500] : memref<819200x128xf32, #tpu.memory_space<hbm>> -> memref<64x128xf32, #tpu.memory_space<hbm>>
        %dma_wait3A_502 = arith.constant 0 : i32
        %dma_wait3A_503 = arith.constant 0 : i32
        %dma_wait3A_504 = tpu.memref_slice %arg7[%dma_wait3A_493, %dma_wait3A_502, %dma_wait3A_503] : memref<8x64x128xf32, #tpu.memory_space<vmem>> -> memref<1x64x128xf32, #tpu.memory_space<vmem>>
        %dma_wait3A_505 = tpu.memref_squeeze %dma_wait3A_504 : memref<1x64x128xf32, #tpu.memory_space<vmem>> -> memref<64x128xf32, #tpu.memory_space<vmem>>
        tpu.wait_dma2 semaphore(%arg17 : memref<!tpu.dma_semaphore, #tpu.memory_space<semaphore_mem>>) src(%dma_wait3A_505 : memref<64x128xf32, #tpu.memory_space<vmem>>) dst(%dma_wait3A_501 : memref<64x128xf32, #tpu.memory_space<hbm>>)
        %add3A_506 = arith.constant 8 : i32
        %add3A_507 = arith.addi %mul3A_220, %add3A_506 : i32
        %add3A_508 = arith.constant 1 : i32
        %add3A_509 = arith.addi %add3A_507, %add3A_508 : i32
        %dma_start3A_510 = arith.constant 1 : i32
        %dma_start3A_511 = arith.constant 0 : i32
        %dma_start3A_512 = arith.constant 0 : i32
        %dma_start3A_513 = tpu.memref_slice %arg7[%dma_start3A_510, %dma_start3A_511, %dma_start3A_512] : memref<8x64x128xf32, #tpu.memory_space<vmem>> -> memref<1x64x128xf32, #tpu.memory_space<vmem>>
        %dma_start3A_514 = tpu.memref_squeeze %dma_start3A_513 : memref<1x64x128xf32, #tpu.memory_space<vmem>> -> memref<64x128xf32, #tpu.memory_space<vmem>>
        %dma_start3A_515 = arith.constant 0 : i32
        %dma_start3A_516 = tpu.memref_slice %arg5[%add3A_509, %dma_start3A_515] : memref<400x64xi32, #tpu.memory_space<vmem>> -> memref<1x64xi32, #tpu.memory_space<vmem>>
        %dma_start3A_517 = tpu.memref_squeeze %dma_start3A_516 : memref<1x64xi32, #tpu.memory_space<vmem>> -> memref<64xi32, #tpu.memory_space<vmem>>
        %dma_start3A_518 = arith.constant 0 : i32
        %dma_start3A_519 = arith.constant 0 : i32
        %dma_start3A_520 = tpu.memref_slice %arg6[%dma_start3A_518, %dma_start3A_519] : memref<200x128xf32, #tpu.memory_space<vmem_shared>> -> memref<200x128xf32, #tpu.memory_space<vmem_shared>>
        tpu.enqueue_indirect_dma source(%dma_start3A_520 : memref<200x128xf32, #tpu.memory_space<vmem_shared>>) target(%dma_start3A_514 : memref<64x128xf32, #tpu.memory_space<vmem>>) offsets(%dma_start3A_517 : memref<64xi32, #tpu.memory_space<vmem>>) semaphore(%arg9 : memref<!tpu.dma_semaphore, #tpu.memory_space<semaphore_mem>>)
        %dma_wait3A_521 = arith.constant 2 : i32
        %dma_wait3A_522 = arith.constant 0 : i32
        %dma_wait3A_523 = arith.constant 0 : i32
        %dma_wait3A_524 = tpu.memref_slice %arg7[%dma_wait3A_521, %dma_wait3A_522, %dma_wait3A_523] : memref<8x64x128xf32, #tpu.memory_space<vmem>> -> memref<1x64x128xf32, #tpu.memory_space<vmem>>
        %dma_wait3A_525 = tpu.memref_squeeze %dma_wait3A_524 : memref<1x64x128xf32, #tpu.memory_space<vmem>> -> memref<64x128xf32, #tpu.memory_space<vmem>>
        %dma_wait3A_526 = arith.constant 0 : i32
        %dma_wait3A_527 = tpu.memref_slice %arg4[%mul3A_2, %dma_wait3A_526] : memref<819200x128xf32, #tpu.memory_space<hbm>> -> memref<64x128xf32, #tpu.memory_space<hbm>>
        %dma_wait3A_528 = arith.constant 0 : i32
        %dma_wait3A_529 = tpu.memref_slice %arg4[%mul3A_2, %dma_wait3A_528] : memref<819200x128xf32, #tpu.memory_space<hbm>> -> memref<64x128xf32, #tpu.memory_space<hbm>>
        %dma_wait3A_530 = arith.constant 0 : i32
        %dma_wait3A_531 = arith.constant 0 : i32
        %dma_wait3A_532 = tpu.memref_slice %arg7[%dma_wait3A_521, %dma_wait3A_530, %dma_wait3A_531] : memref<8x64x128xf32, #tpu.memory_space<vmem>> -> memref<1x64x128xf32, #tpu.memory_space<vmem>>
        %dma_wait3A_533 = tpu.memref_squeeze %dma_wait3A_532 : memref<1x64x128xf32, #tpu.memory_space<vmem>> -> memref<64x128xf32, #tpu.memory_space<vmem>>
        tpu.wait_dma2 semaphore(%arg18 : memref<!tpu.dma_semaphore, #tpu.memory_space<semaphore_mem>>) src(%dma_wait3A_533 : memref<64x128xf32, #tpu.memory_space<vmem>>) dst(%dma_wait3A_529 : memref<64x128xf32, #tpu.memory_space<hbm>>)
        %add3A_534 = arith.constant 8 : i32
        %add3A_535 = arith.addi %mul3A_220, %add3A_534 : i32
        %add3A_536 = arith.constant 2 : i32
        %add3A_537 = arith.addi %add3A_535, %add3A_536 : i32
        %dma_start3A_538 = arith.constant 2 : i32
        %dma_start3A_539 = arith.constant 0 : i32
        %dma_start3A_540 = arith.constant 0 : i32
        %dma_start3A_541 = tpu.memref_slice %arg7[%dma_start3A_538, %dma_start3A_539, %dma_start3A_540] : memref<8x64x128xf32, #tpu.memory_space<vmem>> -> memref<1x64x128xf32, #tpu.memory_space<vmem>>
        %dma_start3A_542 = tpu.memref_squeeze %dma_start3A_541 : memref<1x64x128xf32, #tpu.memory_space<vmem>> -> memref<64x128xf32, #tpu.memory_space<vmem>>
        %dma_start3A_543 = arith.constant 0 : i32
        %dma_start3A_544 = tpu.memref_slice %arg5[%add3A_537, %dma_start3A_543] : memref<400x64xi32, #tpu.memory_space<vmem>> -> memref<1x64xi32, #tpu.memory_space<vmem>>
        %dma_start3A_545 = tpu.memref_squeeze %dma_start3A_544 : memref<1x64xi32, #tpu.memory_space<vmem>> -> memref<64xi32, #tpu.memory_space<vmem>>
        %dma_start3A_546 = arith.constant 0 : i32
        %dma_start3A_547 = arith.constant 0 : i32
        %dma_start3A_548 = tpu.memref_slice %arg6[%dma_start3A_546, %dma_start3A_547] : memref<200x128xf32, #tpu.memory_space<vmem_shared>> -> memref<200x128xf32, #tpu.memory_space<vmem_shared>>
        tpu.enqueue_indirect_dma source(%dma_start3A_548 : memref<200x128xf32, #tpu.memory_space<vmem_shared>>) target(%dma_start3A_542 : memref<64x128xf32, #tpu.memory_space<vmem>>) offsets(%dma_start3A_545 : memref<64xi32, #tpu.memory_space<vmem>>) semaphore(%arg10 : memref<!tpu.dma_semaphore, #tpu.memory_space<semaphore_mem>>)
        %dma_wait3A_549 = arith.constant 3 : i32
        %dma_wait3A_550 = arith.constant 0 : i32
        %dma_wait3A_551 = arith.constant 0 : i32
        %dma_wait3A_552 = tpu.memref_slice %arg7[%dma_wait3A_549, %dma_wait3A_550, %dma_wait3A_551] : memref<8x64x128xf32, #tpu.memory_space<vmem>> -> memref<1x64x128xf32, #tpu.memory_space<vmem>>
        %dma_wait3A_553 = tpu.memref_squeeze %dma_wait3A_552 : memref<1x64x128xf32, #tpu.memory_space<vmem>> -> memref<64x128xf32, #tpu.memory_space<vmem>>
        %dma_wait3A_554 = arith.constant 0 : i32
        %dma_wait3A_555 = tpu.memref_slice %arg4[%mul3A_2, %dma_wait3A_554] : memref<819200x128xf32, #tpu.memory_space<hbm>> -> memref<64x128xf32, #tpu.memory_space<hbm>>
        %dma_wait3A_556 = arith.constant 0 : i32
        %dma_wait3A_557 = tpu.memref_slice %arg4[%mul3A_2, %dma_wait3A_556] : memref<819200x128xf32, #tpu.memory_space<hbm>> -> memref<64x128xf32, #tpu.memory_space<hbm>>
        %dma_wait3A_558 = arith.constant 0 : i32
        %dma_wait3A_559 = arith.constant 0 : i32
        %dma_wait3A_560 = tpu.memref_slice %arg7[%dma_wait3A_549, %dma_wait3A_558, %dma_wait3A_559] : memref<8x64x128xf32, #tpu.memory_space<vmem>> -> memref<1x64x128xf32, #tpu.memory_space<vmem>>
        %dma_wait3A_561 = tpu.memref_squeeze %dma_wait3A_560 : memref<1x64x128xf32, #tpu.memory_space<vmem>> -> memref<64x128xf32, #tpu.memory_space<vmem>>
        tpu.wait_dma2 semaphore(%arg19 : memref<!tpu.dma_semaphore, #tpu.memory_space<semaphore_mem>>) src(%dma_wait3A_561 : memref<64x128xf32, #tpu.memory_space<vmem>>) dst(%dma_wait3A_557 : memref<64x128xf32, #tpu.memory_space<hbm>>)
        %add3A_562 = arith.constant 8 : i32
        %add3A_563 = arith.addi %mul3A_220, %add3A_562 : i32
        %add3A_564 = arith.constant 3 : i32
        %add3A_565 = arith.addi %add3A_563, %add3A_564 : i32
        %dma_start3A_566 = arith.constant 3 : i32
        %dma_start3A_567 = arith.constant 0 : i32
        %dma_start3A_568 = arith.constant 0 : i32
        %dma_start3A_569 = tpu.memref_slice %arg7[%dma_start3A_566, %dma_start3A_567, %dma_start3A_568] : memref<8x64x128xf32, #tpu.memory_space<vmem>> -> memref<1x64x128xf32, #tpu.memory_space<vmem>>
        %dma_start3A_570 = tpu.memref_squeeze %dma_start3A_569 : memref<1x64x128xf32, #tpu.memory_space<vmem>> -> memref<64x128xf32, #tpu.memory_space<vmem>>
        %dma_start3A_571 = arith.constant 0 : i32
        %dma_start3A_572 = tpu.memref_slice %arg5[%add3A_565, %dma_start3A_571] : memref<400x64xi32, #tpu.memory_space<vmem>> -> memref<1x64xi32, #tpu.memory_space<vmem>>
        %dma_start3A_573 = tpu.memref_squeeze %dma_start3A_572 : memref<1x64xi32, #tpu.memory_space<vmem>> -> memref<64xi32, #tpu.memory_space<vmem>>
        %dma_start3A_574 = arith.constant 0 : i32
        %dma_start3A_575 = arith.constant 0 : i32
        %dma_start3A_576 = tpu.memref_slice %arg6[%dma_start3A_574, %dma_start3A_575] : memref<200x128xf32, #tpu.memory_space<vmem_shared>> -> memref<200x128xf32, #tpu.memory_space<vmem_shared>>
        tpu.enqueue_indirect_dma source(%dma_start3A_576 : memref<200x128xf32, #tpu.memory_space<vmem_shared>>) target(%dma_start3A_570 : memref<64x128xf32, #tpu.memory_space<vmem>>) offsets(%dma_start3A_573 : memref<64xi32, #tpu.memory_space<vmem>>) semaphore(%arg11 : memref<!tpu.dma_semaphore, #tpu.memory_space<semaphore_mem>>)
        %dma_wait3A_577 = arith.constant 4 : i32
        %dma_wait3A_578 = arith.constant 0 : i32
        %dma_wait3A_579 = arith.constant 0 : i32
        %dma_wait3A_580 = tpu.memref_slice %arg7[%dma_wait3A_577, %dma_wait3A_578, %dma_wait3A_579] : memref<8x64x128xf32, #tpu.memory_space<vmem>> -> memref<1x64x128xf32, #tpu.memory_space<vmem>>
        %dma_wait3A_581 = tpu.memref_squeeze %dma_wait3A_580 : memref<1x64x128xf32, #tpu.memory_space<vmem>> -> memref<64x128xf32, #tpu.memory_space<vmem>>
        %dma_wait3A_582 = arith.constant 0 : i32
        %dma_wait3A_583 = tpu.memref_slice %arg4[%mul3A_2, %dma_wait3A_582] : memref<819200x128xf32, #tpu.memory_space<hbm>> -> memref<64x128xf32, #tpu.memory_space<hbm>>
        %dma_wait3A_584 = arith.constant 0 : i32
        %dma_wait3A_585 = tpu.memref_slice %arg4[%mul3A_2, %dma_wait3A_584] : memref<819200x128xf32, #tpu.memory_space<hbm>> -> memref<64x128xf32, #tpu.memory_space<hbm>>
        %dma_wait3A_586 = arith.constant 0 : i32
        %dma_wait3A_587 = arith.constant 0 : i32
        %dma_wait3A_588 = tpu.memref_slice %arg7[%dma_wait3A_577, %dma_wait3A_586, %dma_wait3A_587] : memref<8x64x128xf32, #tpu.memory_space<vmem>> -> memref<1x64x128xf32, #tpu.memory_space<vmem>>
        %dma_wait3A_589 = tpu.memref_squeeze %dma_wait3A_588 : memref<1x64x128xf32, #tpu.memory_space<vmem>> -> memref<64x128xf32, #tpu.memory_space<vmem>>
        tpu.wait_dma2 semaphore(%arg20 : memref<!tpu.dma_semaphore, #tpu.memory_space<semaphore_mem>>) src(%dma_wait3A_589 : memref<64x128xf32, #tpu.memory_space<vmem>>) dst(%dma_wait3A_585 : memref<64x128xf32, #tpu.memory_space<hbm>>)
        %add3A_590 = arith.constant 8 : i32
        %add3A_591 = arith.addi %mul3A_220, %add3A_590 : i32
        %add3A_592 = arith.constant 4 : i32
        %add3A_593 = arith.addi %add3A_591, %add3A_592 : i32
        %dma_start3A_594 = arith.constant 4 : i32
        %dma_start3A_595 = arith.constant 0 : i32
        %dma_start3A_596 = arith.constant 0 : i32
        %dma_start3A_597 = tpu.memref_slice %arg7[%dma_start3A_594, %dma_start3A_595, %dma_start3A_596] : memref<8x64x128xf32, #tpu.memory_space<vmem>> -> memref<1x64x128xf32, #tpu.memory_space<vmem>>
        %dma_start3A_598 = tpu.memref_squeeze %dma_start3A_597 : memref<1x64x128xf32, #tpu.memory_space<vmem>> -> memref<64x128xf32, #tpu.memory_space<vmem>>
        %dma_start3A_599 = arith.constant 0 : i32
        %dma_start3A_600 = tpu.memref_slice %arg5[%add3A_593, %dma_start3A_599] : memref<400x64xi32, #tpu.memory_space<vmem>> -> memref<1x64xi32, #tpu.memory_space<vmem>>
        %dma_start3A_601 = tpu.memref_squeeze %dma_start3A_600 : memref<1x64xi32, #tpu.memory_space<vmem>> -> memref<64xi32, #tpu.memory_space<vmem>>
        %dma_start3A_602 = arith.constant 0 : i32
        %dma_start3A_603 = arith.constant 0 : i32
        %dma_start3A_604 = tpu.memref_slice %arg6[%dma_start3A_602, %dma_start3A_603] : memref<200x128xf32, #tpu.memory_space<vmem_shared>> -> memref<200x128xf32, #tpu.memory_space<vmem_shared>>
        tpu.enqueue_indirect_dma source(%dma_start3A_604 : memref<200x128xf32, #tpu.memory_space<vmem_shared>>) target(%dma_start3A_598 : memref<64x128xf32, #tpu.memory_space<vmem>>) offsets(%dma_start3A_601 : memref<64xi32, #tpu.memory_space<vmem>>) semaphore(%arg12 : memref<!tpu.dma_semaphore, #tpu.memory_space<semaphore_mem>>)
        %dma_wait3A_605 = arith.constant 5 : i32
        %dma_wait3A_606 = arith.constant 0 : i32
        %dma_wait3A_607 = arith.constant 0 : i32
        %dma_wait3A_608 = tpu.memref_slice %arg7[%dma_wait3A_605, %dma_wait3A_606, %dma_wait3A_607] : memref<8x64x128xf32, #tpu.memory_space<vmem>> -> memref<1x64x128xf32, #tpu.memory_space<vmem>>
        %dma_wait3A_609 = tpu.memref_squeeze %dma_wait3A_608 : memref<1x64x128xf32, #tpu.memory_space<vmem>> -> memref<64x128xf32, #tpu.memory_space<vmem>>
        %dma_wait3A_610 = arith.constant 0 : i32
        %dma_wait3A_611 = tpu.memref_slice %arg4[%mul3A_2, %dma_wait3A_610] : memref<819200x128xf32, #tpu.memory_space<hbm>> -> memref<64x128xf32, #tpu.memory_space<hbm>>
        %dma_wait3A_612 = arith.constant 0 : i32
        %dma_wait3A_613 = tpu.memref_slice %arg4[%mul3A_2, %dma_wait3A_612] : memref<819200x128xf32, #tpu.memory_space<hbm>> -> memref<64x128xf32, #tpu.memory_space<hbm>>
        %dma_wait3A_614 = arith.constant 0 : i32
        %dma_wait3A_615 = arith.constant 0 : i32
        %dma_wait3A_616 = tpu.memref_slice %arg7[%dma_wait3A_605, %dma_wait3A_614, %dma_wait3A_615] : memref<8x64x128xf32, #tpu.memory_space<vmem>> -> memref<1x64x128xf32, #tpu.memory_space<vmem>>
        %dma_wait3A_617 = tpu.memref_squeeze %dma_wait3A_616 : memref<1x64x128xf32, #tpu.memory_space<vmem>> -> memref<64x128xf32, #tpu.memory_space<vmem>>
        tpu.wait_dma2 semaphore(%arg21 : memref<!tpu.dma_semaphore, #tpu.memory_space<semaphore_mem>>) src(%dma_wait3A_617 : memref<64x128xf32, #tpu.memory_space<vmem>>) dst(%dma_wait3A_613 : memref<64x128xf32, #tpu.memory_space<hbm>>)
        %add3A_618 = arith.constant 8 : i32
        %add3A_619 = arith.addi %mul3A_220, %add3A_618 : i32
        %add3A_620 = arith.constant 5 : i32
        %add3A_621 = arith.addi %add3A_619, %add3A_620 : i32
        %dma_start3A_622 = arith.constant 5 : i32
        %dma_start3A_623 = arith.constant 0 : i32
        %dma_start3A_624 = arith.constant 0 : i32
        %dma_start3A_625 = tpu.memref_slice %arg7[%dma_start3A_622, %dma_start3A_623, %dma_start3A_624] : memref<8x64x128xf32, #tpu.memory_space<vmem>> -> memref<1x64x128xf32, #tpu.memory_space<vmem>>
        %dma_start3A_626 = tpu.memref_squeeze %dma_start3A_625 : memref<1x64x128xf32, #tpu.memory_space<vmem>> -> memref<64x128xf32, #tpu.memory_space<vmem>>
        %dma_start3A_627 = arith.constant 0 : i32
        %dma_start3A_628 = tpu.memref_slice %arg5[%add3A_621, %dma_start3A_627] : memref<400x64xi32, #tpu.memory_space<vmem>> -> memref<1x64xi32, #tpu.memory_space<vmem>>
        %dma_start3A_629 = tpu.memref_squeeze %dma_start3A_628 : memref<1x64xi32, #tpu.memory_space<vmem>> -> memref<64xi32, #tpu.memory_space<vmem>>
        %dma_start3A_630 = arith.constant 0 : i32
        %dma_start3A_631 = arith.constant 0 : i32
        %dma_start3A_632 = tpu.memref_slice %arg6[%dma_start3A_630, %dma_start3A_631] : memref<200x128xf32, #tpu.memory_space<vmem_shared>> -> memref<200x128xf32, #tpu.memory_space<vmem_shared>>
        tpu.enqueue_indirect_dma source(%dma_start3A_632 : memref<200x128xf32, #tpu.memory_space<vmem_shared>>) target(%dma_start3A_626 : memref<64x128xf32, #tpu.memory_space<vmem>>) offsets(%dma_start3A_629 : memref<64xi32, #tpu.memory_space<vmem>>) semaphore(%arg13 : memref<!tpu.dma_semaphore, #tpu.memory_space<semaphore_mem>>)
        %dma_wait3A_633 = arith.constant 6 : i32
        %dma_wait3A_634 = arith.constant 0 : i32
        %dma_wait3A_635 = arith.constant 0 : i32
        %dma_wait3A_636 = tpu.memref_slice %arg7[%dma_wait3A_633, %dma_wait3A_634, %dma_wait3A_635] : memref<8x64x128xf32, #tpu.memory_space<vmem>> -> memref<1x64x128xf32, #tpu.memory_space<vmem>>
        %dma_wait3A_637 = tpu.memref_squeeze %dma_wait3A_636 : memref<1x64x128xf32, #tpu.memory_space<vmem>> -> memref<64x128xf32, #tpu.memory_space<vmem>>
        %dma_wait3A_638 = arith.constant 0 : i32
        %dma_wait3A_639 = tpu.memref_slice %arg4[%mul3A_2, %dma_wait3A_638] : memref<819200x128xf32, #tpu.memory_space<hbm>> -> memref<64x128xf32, #tpu.memory_space<hbm>>
        %dma_wait3A_640 = arith.constant 0 : i32
        %dma_wait3A_641 = tpu.memref_slice %arg4[%mul3A_2, %dma_wait3A_640] : memref<819200x128xf32, #tpu.memory_space<hbm>> -> memref<64x128xf32, #tpu.memory_space<hbm>>
        %dma_wait3A_642 = arith.constant 0 : i32
        %dma_wait3A_643 = arith.constant 0 : i32
        %dma_wait3A_644 = tpu.memref_slice %arg7[%dma_wait3A_633, %dma_wait3A_642, %dma_wait3A_643] : memref<8x64x128xf32, #tpu.memory_space<vmem>> -> memref<1x64x128xf32, #tpu.memory_space<vmem>>
        %dma_wait3A_645 = tpu.memref_squeeze %dma_wait3A_644 : memref<1x64x128xf32, #tpu.memory_space<vmem>> -> memref<64x128xf32, #tpu.memory_space<vmem>>
        tpu.wait_dma2 semaphore(%arg22 : memref<!tpu.dma_semaphore, #tpu.memory_space<semaphore_mem>>) src(%dma_wait3A_645 : memref<64x128xf32, #tpu.memory_space<vmem>>) dst(%dma_wait3A_641 : memref<64x128xf32, #tpu.memory_space<hbm>>)
        %add3A_646 = arith.constant 8 : i32
        %add3A_647 = arith.addi %mul3A_220, %add3A_646 : i32
        %add3A_648 = arith.constant 6 : i32
        %add3A_649 = arith.addi %add3A_647, %add3A_648 : i32
        %dma_start3A_650 = arith.constant 6 : i32
        %dma_start3A_651 = arith.constant 0 : i32
        %dma_start3A_652 = arith.constant 0 : i32
        %dma_start3A_653 = tpu.memref_slice %arg7[%dma_start3A_650, %dma_start3A_651, %dma_start3A_652] : memref<8x64x128xf32, #tpu.memory_space<vmem>> -> memref<1x64x128xf32, #tpu.memory_space<vmem>>
        %dma_start3A_654 = tpu.memref_squeeze %dma_start3A_653 : memref<1x64x128xf32, #tpu.memory_space<vmem>> -> memref<64x128xf32, #tpu.memory_space<vmem>>
        %dma_start3A_655 = arith.constant 0 : i32
        %dma_start3A_656 = tpu.memref_slice %arg5[%add3A_649, %dma_start3A_655] : memref<400x64xi32, #tpu.memory_space<vmem>> -> memref<1x64xi32, #tpu.memory_space<vmem>>
        %dma_start3A_657 = tpu.memref_squeeze %dma_start3A_656 : memref<1x64xi32, #tpu.memory_space<vmem>> -> memref<64xi32, #tpu.memory_space<vmem>>
        %dma_start3A_658 = arith.constant 0 : i32
        %dma_start3A_659 = arith.constant 0 : i32
        %dma_start3A_660 = tpu.memref_slice %arg6[%dma_start3A_658, %dma_start3A_659] : memref<200x128xf32, #tpu.memory_space<vmem_shared>> -> memref<200x128xf32, #tpu.memory_space<vmem_shared>>
        tpu.enqueue_indirect_dma source(%dma_start3A_660 : memref<200x128xf32, #tpu.memory_space<vmem_shared>>) target(%dma_start3A_654 : memref<64x128xf32, #tpu.memory_space<vmem>>) offsets(%dma_start3A_657 : memref<64xi32, #tpu.memory_space<vmem>>) semaphore(%arg14 : memref<!tpu.dma_semaphore, #tpu.memory_space<semaphore_mem>>)
        %dma_wait3A_661 = arith.constant 7 : i32
        %dma_wait3A_662 = arith.constant 0 : i32
        %dma_wait3A_663 = arith.constant 0 : i32
        %dma_wait3A_664 = tpu.memref_slice %arg7[%dma_wait3A_661, %dma_wait3A_662, %dma_wait3A_663] : memref<8x64x128xf32, #tpu.memory_space<vmem>> -> memref<1x64x128xf32, #tpu.memory_space<vmem>>
        %dma_wait3A_665 = tpu.memref_squeeze %dma_wait3A_664 : memref<1x64x128xf32, #tpu.memory_space<vmem>> -> memref<64x128xf32, #tpu.memory_space<vmem>>
        %dma_wait3A_666 = arith.constant 0 : i32
        %dma_wait3A_667 = tpu.memref_slice %arg4[%mul3A_2, %dma_wait3A_666] : memref<819200x128xf32, #tpu.memory_space<hbm>> -> memref<64x128xf32, #tpu.memory_space<hbm>>
        %dma_wait3A_668 = arith.constant 0 : i32
        %dma_wait3A_669 = tpu.memref_slice %arg4[%mul3A_2, %dma_wait3A_668] : memref<819200x128xf32, #tpu.memory_space<hbm>> -> memref<64x128xf32, #tpu.memory_space<hbm>>
        %dma_wait3A_670 = arith.constant 0 : i32
        %dma_wait3A_671 = arith.constant 0 : i32
        %dma_wait3A_672 = tpu.memref_slice %arg7[%dma_wait3A_661, %dma_wait3A_670, %dma_wait3A_671] : memref<8x64x128xf32, #tpu.memory_space<vmem>> -> memref<1x64x128xf32, #tpu.memory_space<vmem>>
        %dma_wait3A_673 = tpu.memref_squeeze %dma_wait3A_672 : memref<1x64x128xf32, #tpu.memory_space<vmem>> -> memref<64x128xf32, #tpu.memory_space<vmem>>
        tpu.wait_dma2 semaphore(%arg23 : memref<!tpu.dma_semaphore, #tpu.memory_space<semaphore_mem>>) src(%dma_wait3A_673 : memref<64x128xf32, #tpu.memory_space<vmem>>) dst(%dma_wait3A_669 : memref<64x128xf32, #tpu.memory_space<hbm>>)
        %add3A_674 = arith.constant 8 : i32
        %add3A_675 = arith.addi %mul3A_220, %add3A_674 : i32
        %add3A_676 = arith.constant 7 : i32
        %add3A_677 = arith.addi %add3A_675, %add3A_676 : i32
        %dma_start3A_678 = arith.constant 7 : i32
        %dma_start3A_679 = arith.constant 0 : i32
        %dma_start3A_680 = arith.constant 0 : i32
        %dma_start3A_681 = tpu.memref_slice %arg7[%dma_start3A_678, %dma_start3A_679, %dma_start3A_680] : memref<8x64x128xf32, #tpu.memory_space<vmem>> -> memref<1x64x128xf32, #tpu.memory_space<vmem>>
        %dma_start3A_682 = tpu.memref_squeeze %dma_start3A_681 : memref<1x64x128xf32, #tpu.memory_space<vmem>> -> memref<64x128xf32, #tpu.memory_space<vmem>>
        %dma_start3A_683 = arith.constant 0 : i32
        %dma_start3A_684 = tpu.memref_slice %arg5[%add3A_677, %dma_start3A_683] : memref<400x64xi32, #tpu.memory_space<vmem>> -> memref<1x64xi32, #tpu.memory_space<vmem>>
        %dma_start3A_685 = tpu.memref_squeeze %dma_start3A_684 : memref<1x64xi32, #tpu.memory_space<vmem>> -> memref<64xi32, #tpu.memory_space<vmem>>
        %dma_start3A_686 = arith.constant 0 : i32
        %dma_start3A_687 = arith.constant 0 : i32
        %dma_start3A_688 = tpu.memref_slice %arg6[%dma_start3A_686, %dma_start3A_687] : memref<200x128xf32, #tpu.memory_space<vmem_shared>> -> memref<200x128xf32, #tpu.memory_space<vmem_shared>>
        tpu.enqueue_indirect_dma source(%dma_start3A_688 : memref<200x128xf32, #tpu.memory_space<vmem_shared>>) target(%dma_start3A_682 : memref<64x128xf32, #tpu.memory_space<vmem>>) offsets(%dma_start3A_685 : memref<64xi32, #tpu.memory_space<vmem>>) semaphore(%arg15 : memref<!tpu.dma_semaphore, #tpu.memory_space<semaphore_mem>>)
      } else {
      }
    }
    %scan3A_113 = arith.constant 50 : i32
    %dma_wait3A_114 = arith.constant 0 : i32
    %dma_wait3A_115 = arith.constant 0 : i32
    %dma_wait3A_116 = arith.constant 0 : i32
    %dma_wait3A_117 = tpu.memref_slice %arg7[%dma_wait3A_114, %dma_wait3A_115, %dma_wait3A_116] : memref<8x64x128xf32, #tpu.memory_space<vmem>> -> memref<1x64x128xf32, #tpu.memory_space<vmem>>
    %dma_wait3A_118 = tpu.memref_squeeze %dma_wait3A_117 : memref<1x64x128xf32, #tpu.memory_space<vmem>> -> memref<64x128xf32, #tpu.memory_space<vmem>>
    %dma_wait3A_119 = arith.constant 0 : i32
    %dma_wait3A_120 = tpu.memref_slice %arg4[%mul3A_2, %dma_wait3A_119] : memref<819200x128xf32, #tpu.memory_space<hbm>> -> memref<64x128xf32, #tpu.memory_space<hbm>>
    %dma_wait3A_121 = arith.constant 0 : i32
    %dma_wait3A_122 = tpu.memref_slice %arg4[%mul3A_2, %dma_wait3A_121] : memref<819200x128xf32, #tpu.memory_space<hbm>> -> memref<64x128xf32, #tpu.memory_space<hbm>>
    %dma_wait3A_123 = arith.constant 0 : i32
    %dma_wait3A_124 = arith.constant 0 : i32
    %dma_wait3A_125 = tpu.memref_slice %arg7[%dma_wait3A_114, %dma_wait3A_123, %dma_wait3A_124] : memref<8x64x128xf32, #tpu.memory_space<vmem>> -> memref<1x64x128xf32, #tpu.memory_space<vmem>>
    %dma_wait3A_126 = tpu.memref_squeeze %dma_wait3A_125 : memref<1x64x128xf32, #tpu.memory_space<vmem>> -> memref<64x128xf32, #tpu.memory_space<vmem>>
    tpu.wait_dma2 semaphore(%arg16 : memref<!tpu.dma_semaphore, #tpu.memory_space<semaphore_mem>>) src(%dma_wait3A_126 : memref<64x128xf32, #tpu.memory_space<vmem>>) dst(%dma_wait3A_122 : memref<64x128xf32, #tpu.memory_space<hbm>>)
    %dma_wait3A_127 = arith.constant 1 : i32
    %dma_wait3A_128 = arith.constant 0 : i32
    %dma_wait3A_129 = arith.constant 0 : i32
    %dma_wait3A_130 = tpu.memref_slice %arg7[%dma_wait3A_127, %dma_wait3A_128, %dma_wait3A_129] : memref<8x64x128xf32, #tpu.memory_space<vmem>> -> memref<1x64x128xf32, #tpu.memory_space<vmem>>
    %dma_wait3A_131 = tpu.memref_squeeze %dma_wait3A_130 : memref<1x64x128xf32, #tpu.memory_space<vmem>> -> memref<64x128xf32, #tpu.memory_space<vmem>>
    %dma_wait3A_132 = arith.constant 0 : i32
    %dma_wait3A_133 = tpu.memref_slice %arg4[%mul3A_2, %dma_wait3A_132] : memref<819200x128xf32, #tpu.memory_space<hbm>> -> memref<64x128xf32, #tpu.memory_space<hbm>>
    %dma_wait3A_134 = arith.constant 0 : i32
    %dma_wait3A_135 = tpu.memref_slice %arg4[%mul3A_2, %dma_wait3A_134] : memref<819200x128xf32, #tpu.memory_space<hbm>> -> memref<64x128xf32, #tpu.memory_space<hbm>>
    %dma_wait3A_136 = arith.constant 0 : i32
    %dma_wait3A_137 = arith.constant 0 : i32
    %dma_wait3A_138 = tpu.memref_slice %arg7[%dma_wait3A_127, %dma_wait3A_136, %dma_wait3A_137] : memref<8x64x128xf32, #tpu.memory_space<vmem>> -> memref<1x64x128xf32, #tpu.memory_space<vmem>>
    %dma_wait3A_139 = tpu.memref_squeeze %dma_wait3A_138 : memref<1x64x128xf32, #tpu.memory_space<vmem>> -> memref<64x128xf32, #tpu.memory_space<vmem>>
    tpu.wait_dma2 semaphore(%arg17 : memref<!tpu.dma_semaphore, #tpu.memory_space<semaphore_mem>>) src(%dma_wait3A_139 : memref<64x128xf32, #tpu.memory_space<vmem>>) dst(%dma_wait3A_135 : memref<64x128xf32, #tpu.memory_space<hbm>>)
    %dma_wait3A_140 = arith.constant 2 : i32
    %dma_wait3A_141 = arith.constant 0 : i32
    %dma_wait3A_142 = arith.constant 0 : i32
    %dma_wait3A_143 = tpu.memref_slice %arg7[%dma_wait3A_140, %dma_wait3A_141, %dma_wait3A_142] : memref<8x64x128xf32, #tpu.memory_space<vmem>> -> memref<1x64x128xf32, #tpu.memory_space<vmem>>
    %dma_wait3A_144 = tpu.memref_squeeze %dma_wait3A_143 : memref<1x64x128xf32, #tpu.memory_space<vmem>> -> memref<64x128xf32, #tpu.memory_space<vmem>>
    %dma_wait3A_145 = arith.constant 0 : i32
    %dma_wait3A_146 = tpu.memref_slice %arg4[%mul3A_2, %dma_wait3A_145] : memref<819200x128xf32, #tpu.memory_space<hbm>> -> memref<64x128xf32, #tpu.memory_space<hbm>>
    %dma_wait3A_147 = arith.constant 0 : i32
    %dma_wait3A_148 = tpu.memref_slice %arg4[%mul3A_2, %dma_wait3A_147] : memref<819200x128xf32, #tpu.memory_space<hbm>> -> memref<64x128xf32, #tpu.memory_space<hbm>>
    %dma_wait3A_149 = arith.constant 0 : i32
    %dma_wait3A_150 = arith.constant 0 : i32
    %dma_wait3A_151 = tpu.memref_slice %arg7[%dma_wait3A_140, %dma_wait3A_149, %dma_wait3A_150] : memref<8x64x128xf32, #tpu.memory_space<vmem>> -> memref<1x64x128xf32, #tpu.memory_space<vmem>>
    %dma_wait3A_152 = tpu.memref_squeeze %dma_wait3A_151 : memref<1x64x128xf32, #tpu.memory_space<vmem>> -> memref<64x128xf32, #tpu.memory_space<vmem>>
    tpu.wait_dma2 semaphore(%arg18 : memref<!tpu.dma_semaphore, #tpu.memory_space<semaphore_mem>>) src(%dma_wait3A_152 : memref<64x128xf32, #tpu.memory_space<vmem>>) dst(%dma_wait3A_148 : memref<64x128xf32, #tpu.memory_space<hbm>>)
    %dma_wait3A_153 = arith.constant 3 : i32
    %dma_wait3A_154 = arith.constant 0 : i32
    %dma_wait3A_155 = arith.constant 0 : i32
    %dma_wait3A_156 = tpu.memref_slice %arg7[%dma_wait3A_153, %dma_wait3A_154, %dma_wait3A_155] : memref<8x64x128xf32, #tpu.memory_space<vmem>> -> memref<1x64x128xf32, #tpu.memory_space<vmem>>
    %dma_wait3A_157 = tpu.memref_squeeze %dma_wait3A_156 : memref<1x64x128xf32, #tpu.memory_space<vmem>> -> memref<64x128xf32, #tpu.memory_space<vmem>>
    %dma_wait3A_158 = arith.constant 0 : i32
    %dma_wait3A_159 = tpu.memref_slice %arg4[%mul3A_2, %dma_wait3A_158] : memref<819200x128xf32, #tpu.memory_space<hbm>> -> memref<64x128xf32, #tpu.memory_space<hbm>>
    %dma_wait3A_160 = arith.constant 0 : i32
    %dma_wait3A_161 = tpu.memref_slice %arg4[%mul3A_2, %dma_wait3A_160] : memref<819200x128xf32, #tpu.memory_space<hbm>> -> memref<64x128xf32, #tpu.memory_space<hbm>>
    %dma_wait3A_162 = arith.constant 0 : i32
    %dma_wait3A_163 = arith.constant 0 : i32
    %dma_wait3A_164 = tpu.memref_slice %arg7[%dma_wait3A_153, %dma_wait3A_162, %dma_wait3A_163] : memref<8x64x128xf32, #tpu.memory_space<vmem>> -> memref<1x64x128xf32, #tpu.memory_space<vmem>>
    %dma_wait3A_165 = tpu.memref_squeeze %dma_wait3A_164 : memref<1x64x128xf32, #tpu.memory_space<vmem>> -> memref<64x128xf32, #tpu.memory_space<vmem>>
    tpu.wait_dma2 semaphore(%arg19 : memref<!tpu.dma_semaphore, #tpu.memory_space<semaphore_mem>>) src(%dma_wait3A_165 : memref<64x128xf32, #tpu.memory_space<vmem>>) dst(%dma_wait3A_161 : memref<64x128xf32, #tpu.memory_space<hbm>>)
    %dma_wait3A_166 = arith.constant 4 : i32
    %dma_wait3A_167 = arith.constant 0 : i32
    %dma_wait3A_168 = arith.constant 0 : i32
    %dma_wait3A_169 = tpu.memref_slice %arg7[%dma_wait3A_166, %dma_wait3A_167, %dma_wait3A_168] : memref<8x64x128xf32, #tpu.memory_space<vmem>> -> memref<1x64x128xf32, #tpu.memory_space<vmem>>
    %dma_wait3A_170 = tpu.memref_squeeze %dma_wait3A_169 : memref<1x64x128xf32, #tpu.memory_space<vmem>> -> memref<64x128xf32, #tpu.memory_space<vmem>>
    %dma_wait3A_171 = arith.constant 0 : i32
    %dma_wait3A_172 = tpu.memref_slice %arg4[%mul3A_2, %dma_wait3A_171] : memref<819200x128xf32, #tpu.memory_space<hbm>> -> memref<64x128xf32, #tpu.memory_space<hbm>>
    %dma_wait3A_173 = arith.constant 0 : i32
    %dma_wait3A_174 = tpu.memref_slice %arg4[%mul3A_2, %dma_wait3A_173] : memref<819200x128xf32, #tpu.memory_space<hbm>> -> memref<64x128xf32, #tpu.memory_space<hbm>>
    %dma_wait3A_175 = arith.constant 0 : i32
    %dma_wait3A_176 = arith.constant 0 : i32
    %dma_wait3A_177 = tpu.memref_slice %arg7[%dma_wait3A_166, %dma_wait3A_175, %dma_wait3A_176] : memref<8x64x128xf32, #tpu.memory_space<vmem>> -> memref<1x64x128xf32, #tpu.memory_space<vmem>>
    %dma_wait3A_178 = tpu.memref_squeeze %dma_wait3A_177 : memref<1x64x128xf32, #tpu.memory_space<vmem>> -> memref<64x128xf32, #tpu.memory_space<vmem>>
    tpu.wait_dma2 semaphore(%arg20 : memref<!tpu.dma_semaphore, #tpu.memory_space<semaphore_mem>>) src(%dma_wait3A_178 : memref<64x128xf32, #tpu.memory_space<vmem>>) dst(%dma_wait3A_174 : memref<64x128xf32, #tpu.memory_space<hbm>>)
    %dma_wait3A_179 = arith.constant 5 : i32
    %dma_wait3A_180 = arith.constant 0 : i32
    %dma_wait3A_181 = arith.constant 0 : i32
    %dma_wait3A_182 = tpu.memref_slice %arg7[%dma_wait3A_179, %dma_wait3A_180, %dma_wait3A_181] : memref<8x64x128xf32, #tpu.memory_space<vmem>> -> memref<1x64x128xf32, #tpu.memory_space<vmem>>
    %dma_wait3A_183 = tpu.memref_squeeze %dma_wait3A_182 : memref<1x64x128xf32, #tpu.memory_space<vmem>> -> memref<64x128xf32, #tpu.memory_space<vmem>>
    %dma_wait3A_184 = arith.constant 0 : i32
    %dma_wait3A_185 = tpu.memref_slice %arg4[%mul3A_2, %dma_wait3A_184] : memref<819200x128xf32, #tpu.memory_space<hbm>> -> memref<64x128xf32, #tpu.memory_space<hbm>>
    %dma_wait3A_186 = arith.constant 0 : i32
    %dma_wait3A_187 = tpu.memref_slice %arg4[%mul3A_2, %dma_wait3A_186] : memref<819200x128xf32, #tpu.memory_space<hbm>> -> memref<64x128xf32, #tpu.memory_space<hbm>>
    %dma_wait3A_188 = arith.constant 0 : i32
    %dma_wait3A_189 = arith.constant 0 : i32
    %dma_wait3A_190 = tpu.memref_slice %arg7[%dma_wait3A_179, %dma_wait3A_188, %dma_wait3A_189] : memref<8x64x128xf32, #tpu.memory_space<vmem>> -> memref<1x64x128xf32, #tpu.memory_space<vmem>>
    %dma_wait3A_191 = tpu.memref_squeeze %dma_wait3A_190 : memref<1x64x128xf32, #tpu.memory_space<vmem>> -> memref<64x128xf32, #tpu.memory_space<vmem>>
    tpu.wait_dma2 semaphore(%arg21 : memref<!tpu.dma_semaphore, #tpu.memory_space<semaphore_mem>>) src(%dma_wait3A_191 : memref<64x128xf32, #tpu.memory_space<vmem>>) dst(%dma_wait3A_187 : memref<64x128xf32, #tpu.memory_space<hbm>>)
    %dma_wait3A_192 = arith.constant 6 : i32
    %dma_wait3A_193 = arith.constant 0 : i32
    %dma_wait3A_194 = arith.constant 0 : i32
    %dma_wait3A_195 = tpu.memref_slice %arg7[%dma_wait3A_192, %dma_wait3A_193, %dma_wait3A_194] : memref<8x64x128xf32, #tpu.memory_space<vmem>> -> memref<1x64x128xf32, #tpu.memory_space<vmem>>
    %dma_wait3A_196 = tpu.memref_squeeze %dma_wait3A_195 : memref<1x64x128xf32, #tpu.memory_space<vmem>> -> memref<64x128xf32, #tpu.memory_space<vmem>>
    %dma_wait3A_197 = arith.constant 0 : i32
    %dma_wait3A_198 = tpu.memref_slice %arg4[%mul3A_2, %dma_wait3A_197] : memref<819200x128xf32, #tpu.memory_space<hbm>> -> memref<64x128xf32, #tpu.memory_space<hbm>>
    %dma_wait3A_199 = arith.constant 0 : i32
    %dma_wait3A_200 = tpu.memref_slice %arg4[%mul3A_2, %dma_wait3A_199] : memref<819200x128xf32, #tpu.memory_space<hbm>> -> memref<64x128xf32, #tpu.memory_space<hbm>>
    %dma_wait3A_201 = arith.constant 0 : i32
    %dma_wait3A_202 = arith.constant 0 : i32
    %dma_wait3A_203 = tpu.memref_slice %arg7[%dma_wait3A_192, %dma_wait3A_201, %dma_wait3A_202] : memref<8x64x128xf32, #tpu.memory_space<vmem>> -> memref<1x64x128xf32, #tpu.memory_space<vmem>>
    %dma_wait3A_204 = tpu.memref_squeeze %dma_wait3A_203 : memref<1x64x128xf32, #tpu.memory_space<vmem>> -> memref<64x128xf32, #tpu.memory_space<vmem>>
    tpu.wait_dma2 semaphore(%arg22 : memref<!tpu.dma_semaphore, #tpu.memory_space<semaphore_mem>>) src(%dma_wait3A_204 : memref<64x128xf32, #tpu.memory_space<vmem>>) dst(%dma_wait3A_200 : memref<64x128xf32, #tpu.memory_space<hbm>>)
    %dma_wait3A_205 = arith.constant 7 : i32
    %dma_wait3A_206 = arith.constant 0 : i32
    %dma_wait3A_207 = arith.constant 0 : i32
    %dma_wait3A_208 = tpu.memref_slice %arg7[%dma_wait3A_205, %dma_wait3A_206, %dma_wait3A_207] : memref<8x64x128xf32, #tpu.memory_space<vmem>> -> memref<1x64x128xf32, #tpu.memory_space<vmem>>
    %dma_wait3A_209 = tpu.memref_squeeze %dma_wait3A_208 : memref<1x64x128xf32, #tpu.memory_space<vmem>> -> memref<64x128xf32, #tpu.memory_space<vmem>>
    %dma_wait3A_210 = arith.constant 0 : i32
    %dma_wait3A_211 = tpu.memref_slice %arg4[%mul3A_2, %dma_wait3A_210] : memref<819200x128xf32, #tpu.memory_space<hbm>> -> memref<64x128xf32, #tpu.memory_space<hbm>>
    %dma_wait3A_212 = arith.constant 0 : i32
    %dma_wait3A_213 = tpu.memref_slice %arg4[%mul3A_2, %dma_wait3A_212] : memref<819200x128xf32, #tpu.memory_space<hbm>> -> memref<64x128xf32, #tpu.memory_space<hbm>>
    %dma_wait3A_214 = arith.constant 0 : i32
    %dma_wait3A_215 = arith.constant 0 : i32
    %dma_wait3A_216 = tpu.memref_slice %arg7[%dma_wait3A_205, %dma_wait3A_214, %dma_wait3A_215] : memref<8x64x128xf32, #tpu.memory_space<vmem>> -> memref<1x64x128xf32, #tpu.memory_space<vmem>>
    %dma_wait3A_217 = tpu.memref_squeeze %dma_wait3A_216 : memref<1x64x128xf32, #tpu.memory_space<vmem>> -> memref<64x128xf32, #tpu.memory_space<vmem>>
    tpu.wait_dma2 semaphore(%arg23 : memref<!tpu.dma_semaphore, #tpu.memory_space<semaphore_mem>>) src(%dma_wait3A_217 : memref<64x128xf32, #tpu.memory_space<vmem>>) dst(%dma_wait3A_213 : memref<64x128xf32, #tpu.memory_space<hbm>>)
    return
  }
}

</mosaic_0001>

<sc_bundles>
// kernel: kernel.3.cloned.1.call-start
scs
__scs_entry_jumppad:
0x0: {  	(pc) =	sbr.rel $0x88, $3  }
0x1: {  	(tag) =	ssettag $0x0;
	lr =	simm.s32 $0x1  }
0x2: {  	[smem:$0x3F9F] =	sst lr;
	_ =	strace $0xD0000000  }
0x3: {  	_ = 	snop  }
0x4: {  	_ = 	snop  }
0x5: {  	_ = 	snop  }
0x6: {  	_ = 	snop  }
0x7: {  	_ = 	snop  }
__scs_overlays_trampoline_lowered:
0x8: {  	[smem:$0x3FAE] =	sst s0  }
0x9: {  	[smem:$0x3FAF] =	sst s1  }
0xa: {  	[smem:$0x3FB0] =	sst s2  }
0xb: {  	[smem:$0x3FB1] =	sst s3  }
0xc: {  	[smem:$0x3FB2] =	sst s4  }
0xd: {  	[smem:$0x3FB3] =	sst s5  }
0xe: {  	[smem:$0x3FB4] =	sst s6  }
0xf: {  	[smem:$0x3FB5] =	sst s7  }
0x10: {  	[smem:$0x3FB6] =	sst s8  }
0x11: {  	[smem:$0x3FB7] =	sst s9;
	s0 =	simm.s32 @!p0 $0x0  }
0x12: {  	s1 =	sld [smem:$0x3F9D];
	s0 =	simm.s32 @p0 $0x1  }
0x13: {  	[smem:$0x3FB8] =	sst s0;
	s0 =	simm.s32 @!p1 $0x0  }
0x14: {  	s2 =	sld [smem:$0x3F9C];
	s0 =	simm.s32 @p1 $0x1  }
0x15: {  	[smem:$0x3FB9] =	sst s0;
	s0 =	simm.s32 @!p2 $0x0  }
0x16: {  	s3 =	sld [smem:$0x3FDB];
	s0 =	simm.s32 @p2 $0x1  }
0x17: {  	s4 =	simm.s32 $0x1BF5;
	[smem:$0x3FBB] =	sst s0  }
0x18: {  	s0 =	sld [smem:$0x3F9E];
	_ =	swait.ge [sflag:s4], $0x0  }
0x19: {  	s7 =	sld [smem:$0x3F9F]  }
0x1a: {  	s8 =	sadd.s32 $0xFFFFE003, lr  }
0x1b: {  	s9 =	sadd.s32 $0xFFFFFEF7, lr;
	s5 =	simm.s32 $0xFFFFFFFF;
	p2 =	slt.u32 s8, $0xFFFFF086  }
0x1c: {  	p1 =	slt.u32 s9, $0xF7A;
	s5 =	simm.s32 @!p2 $0x0  }
0x1d: {  	s5 =	simm.s32 @p1 $0x1;
	p0 =	seq.s32 s7, s2  }
0x1e: {  	s7 =	smul.u32 @!p0 $0xF7A, s2;
	p2 =	seq.s32 @!p0 s5, $0x0  }
0x1f: {  	s9 =	smul.u32 $0xF7A, s1;
	s8 =	simm.s32 @!p0 $0x1BF5;
	p2 =	por !p2, p0  }
0x20: {  	[sflag:s8] =	ssyncset.s32 @!p0 $0xFFFFF086;
	s6 =	sadd.s32 @!p0 s3, s7;
	s7 =	simm.s32 @!p0 $0x108  }
0x21: {  	s3 =	sadd.s32 s3, s9;
	s6 =	sadd.s32 @!p0 $0x88, s6;
	s7 =	simm.s32 @p2 $0x1082  }
0x22: {  	[simem:s7], [sflag:s8] =	dma.local @!p0 [hbm:s6], $0xF7A  }
0x23: {  	s9 =	sor.u32 $0xD0000000, s2;
	s6 =	simm.s32 $0x108;
	_ =	swait.ge @!p0 [sflag:s8], $0x0  }
0x24: {  	s3 =	sadd.s32 $0x88, s3;
	s6 =	simm.s32 @!p1 $0x1082;
	[sflag:s4] =	ssyncset.s32 $0xFFFFF086  }
0x25: {  	[simem:s6], [sflag:s4] =	dma.local [hbm:s3], $0xF7A  }
0x26: {  	[smem:$0x3F9F] =	sst s1;
	(tag) =	ssettag s2;
	_ =	strace s9  }
0x27: {  	s1 =	sld [smem:$0x3FAF]  }
0x28: {  	s2 =	sld [smem:$0x3FB0]  }
0x29: {  	s4 =	sld [smem:$0x3FB2]  }
0x2a: {  	p0 =	seq.s32 s5, $0x0;
	s5 =	sld [smem:$0x3FB3]  }
0x2b: {  	s6 =	sld [smem:$0x3FB4]  }
0x2c: {  	s7 =	sld [smem:$0x3FB5]  }
0x2d: {  	s3 =	simm.s32 $0x108;
	s8 =	sld [smem:$0x3FB6]  }
0x2e: {  	s3 =	simm.s32 @!p0 $0x1082;
	s9 =	sld [smem:$0x3FB7]  }
0x2f: {  	lr =	sadd.s32 s0, s3;
	s0 =	sld [smem:$0x3FAE]  }
0x30: {  	s3 =	sld [smem:$0x3FB1]  }
0x31: {  	[smem:$0x3FBA] =	sst s10  }
0x32: {  	s10 =	sld [smem:$0x3FB8];
	_ =	sdelay $0x3  }
0x33: {  	p0 =	seq.s32 s10, $0x1;
	s10 =	sld [smem:$0x3FBA];
	_ =	sdelay $0x3  }
0x34: {  	[smem:$0x3FBA] =	sst s10  }
0x35: {  	s10 =	sld [smem:$0x3FB9];
	_ =	sdelay $0x3  }
0x36: {  	p1 =	seq.s32 s10, $0x1;
	s10 =	sld [smem:$0x3FBA];
	_ =	sdelay $0x3  }
0x37: {  	[smem:$0x3FBA] =	sst s10  }
0x38: {  	s10 =	sld [smem:$0x3FBB]  }
0x39: {  	_ = 	snop;
	(pc) =	sbr.ind lr, $3  }
0x3a: {  	_ = 	snop  }
0x3b: {  	_ = 	snop  }
0x3c: {  	p2 =	seq.s32 s10, $0x1;
	s10 =	sld [smem:$0x3FBA]  }
0x3d: {  	_ =	shalt  }
0x3e: {  	_ =	shalt  }
0x3f: {  	_ =	shalt  }
0x40: {  	_ =	shalt  }
0x41: {  	_ =	shalt  }
0x42: {  	_ =	shalt  }
0x43: {  	_ =	shalt  }
0x44: {  	_ =	shalt  }
0x45: {  	_ =	shalt  }
0x46: {  	_ =	shalt  }
0x47: {  	_ =	shalt  }
0x48: {  	_ =	shalt  }
0x49: {  	_ =	shalt  }
0x4a: {  	_ =	shalt  }
0x4b: {  	_ =	shalt  }
0x4c: {  	_ =	shalt  }
0x4d: {  	_ =	shalt  }
0x4e: {  	_ =	shalt  }
0x4f: {  	_ =	shalt  }
0x50: {  	_ =	shalt  }
0x51: {  	_ =	shalt  }
0x52: {  	_ =	shalt  }
0x53: {  	_ =	shalt  }
0x54: {  	_ =	shalt  }
0x55: {  	_ =	shalt  }
0x56: {  	_ =	shalt  }
0x57: {  	_ =	shalt  }
0x58: {  	_ =	shalt  }
0x59: {  	_ =	shalt  }
0x5a: {  	_ =	shalt  }
0x5b: {  	_ =	shalt  }
0x5c: {  	_ =	shalt  }
0x5d: {  	_ =	shalt  }
0x5e: {  	_ =	shalt  }
0x5f: {  	_ =	shalt  }
0x60: {  	_ =	shalt  }
0x61: {  	_ =	shalt  }
0x62: {  	_ =	shalt  }
0x63: {  	_ =	shalt  }
0x64: {  	_ =	shalt  }
0x65: {  	_ =	shalt  }
0x66: {  	_ =	shalt  }
0x67: {  	_ =	shalt  }
0x68: {  	_ =	shalt  }
0x69: {  	_ =	shalt  }
0x6a: {  	_ =	shalt  }
0x6b: {  	_ =	shalt  }
0x6c: {  	_ =	shalt  }
0x6d: {  	_ =	shalt  }
0x6e: {  	_ =	shalt  }
0x6f: {  	_ =	shalt  }
0x70: {  	_ =	shalt  }
0x71: {  	_ =	shalt  }
0x72: {  	_ =	shalt  }
0x73: {  	_ =	shalt  }
0x74: {  	_ =	shalt  }
0x75: {  	_ =	shalt  }
0x76: {  	_ =	shalt  }
0x77: {  	_ =	shalt  }
0x78: {  	_ =	shalt  }
0x79: {  	_ =	shalt  }
0x7a: {  	_ =	shalt  }
0x7b: {  	_ =	shalt  }
0x7c: {  	_ =	shalt  }
0x7d: {  	_ =	shalt  }
0x7e: {  	_ =	shalt  }
0x7f: {  	_ =	shalt  }
0x80: {  	_ =	shalt  }
0x81: {  	_ =	shalt  }
0x82: {  	_ =	shalt  }
0x83: {  	_ =	shalt  }
0x84: {  	_ =	shalt  }
0x85: {  	_ =	shalt  }
0x86: {  	_ =	shalt  }
0x87: {  	_ =	shalt  }
.Lfunc_end0:
.L_simem_size_0:
called_computation_lowered:
.L_overlay_start_0:
0x88: {  	s2 =	sld [smem:$0x3FD9]  }
0x89: {  	s3 =	sld [smem:$0x3FFE];
	_ =	sdelay $0x1  }
0x8a: {  	s1 =	srdreg.scid  }
0x8b: {  	s0 =	sand.u32 $0x1, s1  }
0x8c: {  	s17 =	sshll.u32 s0, $0xA;
	s2 =	sadd.s32 s3, s2  }
0x8d: {  	s2 =	sadd.s32 s2, s17  }
0x8e: {  	[smem:$0x3FC6] =	sst s2  }
0x8f: {  	_ = 	snop  }
0x90: {  	s2 =	sld [smem:$0x3FC8]  }
0x91: {  	s18 =	sld [smem:$0x3FD0];
	(tm) =	ssettm $0x1  }
0x92: {  	s4 =	sld [smem:$0x3FFB];
	_ =	sdelay $0x3  }
0x93: {  	_ =	strace s4  }
0x94: {  	s4 =	sld [smem:$0x3FFC];
	_ =	sdelay $0x3  }
0x95: {  	_ =	strace s4  }
0x96: {  	s4 =	sld [smem:$0x3FFD];
	_ =	sdelay $0x3  }
0x97: {  	_ =	strace s4  }
0x98: {  	_ =	strace $0x8FFFFFFF  }
0x99: {  	s19 =	sld [smem:$0x3FDB];
	_ =	sdelay $0x1  }
0x9a: {  	s5 =	simm.s32 $_scs_section_size  }
0x9b: {  	s6 =	simm.s32 $_size__tile_overlayer_lowered;
	s7 =	simm.s32 $_tile_overlayer_lowered  }
0x9c: {  	s22 =	simm.s32 $0x1BFF;
	s21 =	sshll.u32 s7, $0x1;
	s4 =	sadd.s32 s5, s19  }
0x9d: {  	s8 =	simm.s32 $0x0;
	s20 =	sshll.u32 s6, $0x1;
	s6 =	sadd.s32 s21, s4  }
0x9e: {  	[timem:s8], [sflag:s22] =	dma.local [hbm:s6], s20  }
0x9f: {  	_ =	swait.ge [sflag:s22], s20  }
0xa0: {  	s5 =	ssub.s32 $0x0, s20;
	[sflag:s22] =	ssyncset.done $0x0  }
0xa1: {  	[sflag:s22] =	ssyncadd.s32 s5;
	_ =	sdelay $0x1  }
0xa2: {  	s23 =	simm.s32 $0x1B8B  }
0xa3: {  	_ =	swait.ge [sflag:s23], $0x1  }
0xa4: {  	[sflag:s23] =	ssyncset.done $0x0  }
0xa5: {  	s25 =	simm.s32 $0x1B8E;
	s24 =	sld [smem:$0x3FFE];
	[sflag:s23] =	ssyncadd.s32 $0xFFFFFFFF  }
0xa6: {  	s26 =	simm.s32 $execute0_lowered;
	[smem:$0x3FD2] =	sst s25  }
0xa7: {  	s6 =	sshll.u32 s26, $0x1;
	_ =	strace $0x80000046;
	[dreg:$0x1] =	wrdreg $0xFFFFFFFF  }
0xa8: {  	s28 =	simm.s32 $_size_execute0_lowered;
	s4 =	sadd.s32 s4, s6;
	[dreg:$0x0] =	wrdreg $0x0  }
0xa9: {  	s6 =	sshll.u32 s28, $0x1;
	[dreg:$0x2] =	wrdreg s4  }
0xaa: {  	[dreg:$0x3] =	wrdreg s6  }
0xab: {  	[dreg:$0x4] =	wrdreg $0xC0  }
0xac: {  	_ =	task [dreg:s8], $0x5FFFF  }
0xad: {  	[dreg:$0x1] =	wrdreg $0xFFFFFFFF  }
0xae: {  	[dreg:$0x0] =	wrdreg $0x60  }
0xaf: {  	[dreg:$0x2] =	wrdreg s24  }
0xb0: {  	[dreg:$0x3] =	wrdreg s2  }
0xb1: {  	[dreg:$0x4] =	wrdreg s18  }
0xb2: {  	[dreg:$0x5] =	wrdreg $0xC8000  }
0xb3: {  	[dreg:$0x6] =	wrdreg $0x9  }
0xb4: {  	_ =	task.clear_ibuf [dreg:s8], $0x7FFFF;
	_ =	strace $0x90000046  }
0xb5: {  	s29 =	simm.s32 $0x9;
	_ =	strace $0x80000048  }
0xb6: {  	_ =	swait.ge [sflag:s29], $0x1  }
0xb7: {  	[sflag:s29] =	ssyncadd.s32 $0xFFFFFFFF  }
0xb8: {  	_ =	strace $0x90000048  }
0xb9: {  	_ =	sfence  }
0xba: {  	s30 =	sld [smem:$0x0];
	_ =	sdelay $0x2  }
0xbb: {  	s31 =	sshll.u32 s1, $0xD;
	s1 =	sshrl.u32 s1, $0x2  }
0xbc: {  	s3 =	sand.u32 $0x4000, s31;
	s1 =	sadd.s32 s1, s30  }
0xbd: {  	s0 =	sor.u32 s3, s0;
	s1 =	sshll.u32 s1, $0x11  }
0xbe: {  	s0 =	sor.u32 s1, s0  }
0xbf: {  	s0 =	sadd.s32 $0x8F2B, s0  }
0xc0: {  	[sflag:s0] =	ssyncadd.remote.s32 $0x1  }
0xc1: {  	_ =	sfence.sel $0xFFFF  }
0xc2: {  	[dreg:$0x0] =	wrdreg $0xFFFFFFFF;
	(pc) =	sbr.abs _section_cstart, $3  }
0xc3: {  	[dreg:$0x1] =	wrdreg $0xFFFFFFFF  }
0xc4: {  	_ =	task.clear_ibuf [dreg:s8], $0x2FFFF;
	_ =	strace $0x9FFFFFFF  }
0xc5: {  	(tm) =	ssettm $0x7FFFFFFF  }
tec
execute0_lowered:
.L_overlay_start_1:
0x0: {  	(tag) =	ssettag $0x1  }
0x1: {  	s0 =	rddreg [dreg:$0x0];
	s1 =	srdreg.scid  }
0x2: {  	s2 =	stileid.u32;
	s3 =	rddreg [dreg:$0x3]  }
0x3: {  	s11 =	simm.s32 $0x40;
	s12 =	simm.s32 $0xCE40;
	s14 =	simm.s32 $0xEE40  }
0x4: {  	s16 =	simm.s32 $0x10E40;
	s18 =	simm.s32 $0x12E40;
	s20 =	simm.s32 $0x14E40  }
0x5: {  	s22 =	simm.s32 $0x16E40;
	s28 =	simm.s32 $0x1;
	s29 =	simm.s32 $0x2  }
0x6: {  	s30 =	simm.s32 $0x3;
	s31 =	simm.s32 $0x4;
	s13 =	simm.s32 $0x8  }
0x7: {  	s15 =	simm.s32 $0x9;
	s17 =	simm.s32 $0xA;
	s19 =	simm.s32 $0xB  }
0x8: {  	s21 =	simm.s32 $0xC;
	s1 =	sand.u32 $0x1, s1;
	s7 =	smul.u32 $0x640000, s2  }
0x9: {  	s4 =	sshll.u32 s2, $0x1;
	s24 =	smul.u32 $0xC8000, s2;
	p0 =	sne.s32 s2, $0x0  }
0xa: {  	s2 =	simm.s32 $0x7;
	s5 =	sor.u32 s1, s4;
	s9 =	smul.u32 $0x320000, s1  }
0xb: {  	s4 =	simm.s32 $0x0;
	s6 =	ssub.s32 $0x2, s1;
	s1 =	smul.u32 $0x64000, s1  }
0xc: {  	s5 =	smul.u32 $0x1900, s5;
	[smem:$0x7FF] =	sst s4;
	s8 =	sshrl.u32 s6, $0x1  }
0xd: {  	_ =	strace $0x80000047;
	s23 =	ssub.s32 s6, s8;
	s25 =	sadd.s32 s9, s7  }
0xe: {  	s26 =	sadd.s32 s1, s24;
	s24 =	simm.s32 $0x18E40;
	s1 =	simm.s32 $0x5  }
0xf: {  	s6 =	simm.s32 $0x10;
	s8 =	simm.s32 $0x0;
	s0 =	sadd.s32 s5, s0  }
.Ltmp0:
0x10: {  	s5 =	smax.u32 s23, $0x1;
	[dreg:$0x8] =	wrdreg s26;
	(pc) =	sbr.rel .LBB2_1-.Ltmp0, $4  }
0x11: {  	s26 =	simm.s32 $0x1AE40;
	s0 =	sadd.s32 $0x400, s0;
	[dreg:$0x6] =	wrdreg s5  }
0x12: {  	s23 =	simm.s32 $0xD;
	[dreg:$0x5] =	wrdreg s0;
	s0 =	sshrl.u32 s25, $0x3  }
0x13: {  	s5 =	simm.s32 $0xF;
	[dreg:$0x7] =	wrdreg s0;
	s0 =	sshrl.u32 @!p0 s3, $0x3  }
0x14: {  	s25 =	simm.s32 $0xE;
	[dreg:$0x9] =	wrdreg s0;
	s0 =	simm.s32 $0x6  }
.LBB2_4:
0x15: {  	_ =	swait.ge [sflag:s17], $0x2000  }
0x16: {  	[sflag:s17] =	ssyncset.done $0x0  }
0x17: {  	[sflag:s17] =	ssyncadd.s32 $0xFFFFE000  }
0x18: {  	_ =	swait.ge [sflag:s19], $0x2000  }
0x19: {  	[sflag:s19] =	ssyncset.done $0x0  }
0x1a: {  	[sflag:s19] =	ssyncadd.s32 $0xFFFFE000  }
0x1b: {  	_ =	swait.ge [sflag:s21], $0x2000  }
0x1c: {  	[sflag:s21] =	ssyncset.done $0x0  }
0x1d: {  	[sflag:s21] =	ssyncadd.s32 $0xFFFFE000  }
0x1e: {  	_ =	swait.ge [sflag:s23], $0x2000  }
0x1f: {  	[sflag:s23] =	ssyncset.done $0x0  }
0x20: {  	[sflag:s23] =	ssyncadd.s32 $0xFFFFE000  }
0x21: {  	_ =	swait.ge [sflag:s25], $0x2000  }
0x22: {  	[sflag:s25] =	ssyncset.done $0x0  }
0x23: {  	[sflag:s25] =	ssyncadd.s32 $0xFFFFE000  }
0x24: {  	_ =	swait.ge [sflag:s5], $0x2000  }
0x25: {  	[sflag:s5] =	ssyncset.done $0x0  }
0x26: {  	[sflag:s5] =	ssyncadd.s32 $0xFFFFE000  }
0x27: {  	_ =	swait.ge [sflag:s6], $0x2000  }
0x28: {  	s8 =	rddreg [dreg:$0xa]  }
0x29: {  	s7 =	rddreg [dreg:$0x6];
	s8 =	sadd.s32 $0x1, s8  }
0x2a: {  	p1 =	sne.s32 s8, s7  }
.Ltmp1:
0x2b: {  	_ = 	snop;
	(pc) =	sbr.rel @!p1 .LBB2_5-.Ltmp1, $3  }
0x2c: {  	_ =	sdelay $0x1  }
0x2d: {  	[sflag:s6] =	ssyncset.done $0x0  }
0x2e: {  	[sflag:s6] =	ssyncadd.s32 $0xFFFFE000  }
.LBB2_1:
0x2f: {  	[dreg:$0xa] =	wrdreg s8  }
0x30: {  	s7 =	rddreg [dreg:$0x5]  }
0x31: {  	s8 =	rddreg [dreg:$0x9]  }
0x32: {  	[tilespmem:s4], [sflag:$0x11] =	stream.linear.gather [hbm4b:s7+s4], $0xC800, $0x38;
	[tilespmem:$0x1CE40] =	vst v63  }
0x33: {  	s9 =	simm.s32 @!p0 $0x1C12;
	s7 =	rddreg [dreg:$0x1]  }
0x34: {  	[spmem:s8], [sflag:s9] =	dma.local @!p0 [hbm:s7], $0xC80  }
0x35: {  	s9 =	simm.s32 @!p0 $0x12  }
0x36: {  	_ =	swait.ge @!p0 [sflag:s9], $0xC80  }
0x37: {  	[sflag:s9] =	ssyncset.done @!p0 $0x0  }
0x38: {  	[sflag:s9] =	ssyncadd.s32 @!p0 $0xFFFFF380  }
0x39: {  	s9 =	simm.s32 $0x11;
	[bflag:$0x0] =	sbarrier.arrive $0xFFFF  }
0x3a: {  	_ =	swait.ge [sflag:s9], $0xC800  }
0x3b: {  	[sflag:s9] =	ssyncset.done $0x0  }
0x3c: {  	[sflag:s9] =	ssyncadd.s32 $0xFFFF3800  }
0x3d: {  	[tilespmem:s12], [sflag:$0x1] =	stream.indirect.gather [spmem:s3], $0x80, s4, s11, $0xb8;
	[tilespmem:$0x1CE40] =	vst v63  }
0x3e: {  	s10 =	simm.s32 $0x80  }
0x3f: {  	[tilespmem:s14], [sflag:$0x2] =	stream.indirect.gather [spmem:s3], $0x80, s10, s11, $0xb8;
	[tilespmem:$0x1CE40] =	vst v63  }
0x40: {  	s8 =	simm.s32 $0x100  }
0x41: {  	[tilespmem:s16], [sflag:$0x3] =	stream.indirect.gather [spmem:s3], $0x80, s8, s11, $0xb8;
	[tilespmem:$0x1CE40] =	vst v63  }
0x42: {  	s9 =	simm.s32 $0x180  }
0x43: {  	[tilespmem:s18], [sflag:$0x4] =	stream.indirect.gather [spmem:s3], $0x80, s9, s11, $0xb8;
	[tilespmem:$0x1CE40] =	vst v63  }
0x44: {  	s10 =	simm.s32 $0x200  }
0x45: {  	[tilespmem:s20], [sflag:$0x5] =	stream.indirect.gather [spmem:s3], $0x80, s10, s11, $0xb8;
	[tilespmem:$0x1CE40] =	vst v63  }
0x46: {  	s8 =	simm.s32 $0x280  }
0x47: {  	[tilespmem:s22], [sflag:$0x6] =	stream.indirect.gather [spmem:s3], $0x80, s8, s11, $0xb8;
	[tilespmem:$0x1CE40] =	vst v63  }
0x48: {  	s9 =	simm.s32 $0x300  }
0x49: {  	[tilespmem:s24], [sflag:$0x7] =	stream.indirect.gather [spmem:s3], $0x80, s9, s11, $0xb8;
	[tilespmem:$0x1CE40] =	vst v63  }
0x4a: {  	s10 =	simm.s32 $0x380  }
0x4b: {  	[tilespmem:s26], [sflag:$0x8] =	stream.indirect.gather [spmem:s3], $0x80, s10, s11, $0xb8;
	[tilespmem:$0x1CE40] =	vst v63  }
0x4c: {  	s9 =	simm.s32 $0x0;
	s10 =	rddreg [dreg:$0x2]  }
.LBB2_2:
0x4d: {  	_ =	swait.ge [sflag:s28], $0x2000  }
0x4e: {  	[sflag:s28] =	ssyncset.done $0x0;
	s7 =	rddreg [dreg:$0x7]  }
0x4f: {  	[sflag:s28] =	ssyncadd.s32 $0xFFFFE000;
	s7 =	sadd.s32 s10, s7  }
0x50: {  	[hbm4b:s7+s4] =	stream.linear.scatter [tilespmem:s12], [sflag:$0x9], $0x2000, $0x38;
	[tilespmem:$0x1CE40] =	vst v63  }
0x51: {  	_ =	swait.ge [sflag:s29], $0x2000  }
0x52: {  	s8 =	rddreg [dreg:$0x8]  }
0x53: {  	[sflag:s29] =	ssyncset.done $0x0;
	s7 =	sadd.s32 s10, s8  }
0x54: {  	[sflag:s29] =	ssyncadd.s32 $0xFFFFE000;
	s8 =	sadd.s32 $0x400, s7  }
0x55: {  	[hbm4b:s8+s4] =	stream.linear.scatter [tilespmem:s14], [sflag:$0xA], $0x2000, $0x38;
	[tilespmem:$0x1CE40] =	vst v63  }
0x56: {  	_ =	swait.ge [sflag:s30], $0x2000  }
0x57: {  	[sflag:s30] =	ssyncset.done $0x0  }
0x58: {  	s8 =	sadd.s32 $0x800, s7;
	[sflag:s30] =	ssyncadd.s32 $0xFFFFE000  }
0x59: {  	[hbm4b:s8+s4] =	stream.linear.scatter [tilespmem:s16], [sflag:$0xB], $0x2000, $0x38;
	[tilespmem:$0x1CE40] =	vst v63  }
0x5a: {  	_ =	swait.ge [sflag:s31], $0x2000  }
0x5b: {  	[sflag:s31] =	ssyncset.done $0x0  }
0x5c: {  	s8 =	sadd.s32 $0xC00, s7;
	[sflag:s31] =	ssyncadd.s32 $0xFFFFE000  }
0x5d: {  	[hbm4b:s8+s4] =	stream.linear.scatter [tilespmem:s18], [sflag:$0xC], $0x2000, $0x38;
	[tilespmem:$0x1CE40] =	vst v63  }
0x5e: {  	_ =	swait.ge [sflag:s1], $0x2000  }
0x5f: {  	[sflag:s1] =	ssyncset.done $0x0  }
0x60: {  	s8 =	sadd.s32 $0x1000, s7;
	[sflag:s1] =	ssyncadd.s32 $0xFFFFE000  }
0x61: {  	[hbm4b:s8+s4] =	stream.linear.scatter [tilespmem:s20], [sflag:$0xD], $0x2000, $0x38;
	[tilespmem:$0x1CE40] =	vst v63  }
0x62: {  	_ =	swait.ge [sflag:s0], $0x2000  }
0x63: {  	[sflag:s0] =	ssyncset.done $0x0  }
0x64: {  	s8 =	sadd.s32 $0x1400, s7;
	[sflag:s0] =	ssyncadd.s32 $0xFFFFE000  }
0x65: {  	[hbm4b:s8+s4] =	stream.linear.scatter [tilespmem:s22], [sflag:$0xE], $0x2000, $0x38;
	[tilespmem:$0x1CE40] =	vst v63  }
0x66: {  	_ =	swait.ge [sflag:s2], $0x2000  }
0x67: {  	[sflag:s2] =	ssyncset.done $0x0  }
0x68: {  	s8 =	sadd.s32 $0x1800, s7;
	[sflag:s2] =	ssyncadd.s32 $0xFFFFE000  }
0x69: {  	[hbm4b:s8+s4] =	stream.linear.scatter [tilespmem:s24], [sflag:$0xF], $0x2000, $0x38;
	[tilespmem:$0x1CE40] =	vst v63  }
0x6a: {  	_ =	swait.ge [sflag:s13], $0x2000  }
0x6b: {  	p1 =	seq.s32 s9, $0x31000;
	[sflag:s13] =	ssyncset.done $0x0  }
.Ltmp2:
0x6c: {  	s7 =	sadd.s32 $0x1C00, s7;
	[sflag:s13] =	ssyncadd.s32 $0xFFFFE000;
	(pc) =	sbr.rel @p1 .LBB2_4-.Ltmp2, $4  }
0x6d: {  	[hbm4b:s7+s4] =	stream.linear.scatter [tilespmem:s26], [sflag:$0x10], $0x2000, $0x38;
	[tilespmem:$0x1CE40] =	vst v63  }
0x6e: {  	_ =	swait.ge [sflag:s15], $0x2000  }
0x6f: {  	[sflag:s15] =	ssyncset.done $0x0  }
0x70: {  	[sflag:s15] =	ssyncadd.s32 $0xFFFFE000  }
0x71: {  	s7 =	sshra.s32 s9, $0x2  }
0x72: {  	s8 =	sadd.s32 $0x400, s7  }
0x73: {  	[tilespmem:s12], [sflag:$0x1] =	stream.indirect.gather [spmem:s3], $0x80, s8, s11, $0xb8;
	[tilespmem:$0x1CE40] =	vst v63  }
0x74: {  	_ =	swait.ge [sflag:s17], $0x2000  }
0x75: {  	[sflag:s17] =	ssyncset.done $0x0  }
0x76: {  	s8 =	sadd.s32 $0x480, s7;
	[sflag:s17] =	ssyncadd.s32 $0xFFFFE000  }
0x77: {  	[tilespmem:s14], [sflag:$0x2] =	stream.indirect.gather [spmem:s3], $0x80, s8, s11, $0xb8;
	[tilespmem:$0x1CE40] =	vst v63  }
0x78: {  	_ =	swait.ge [sflag:s19], $0x2000  }
0x79: {  	[sflag:s19] =	ssyncset.done $0x0  }
0x7a: {  	s8 =	sadd.s32 $0x500, s7;
	[sflag:s19] =	ssyncadd.s32 $0xFFFFE000  }
0x7b: {  	[tilespmem:s16], [sflag:$0x3] =	stream.indirect.gather [spmem:s3], $0x80, s8, s11, $0xb8;
	[tilespmem:$0x1CE40] =	vst v63  }
0x7c: {  	_ =	swait.ge [sflag:s21], $0x2000  }
0x7d: {  	[sflag:s21] =	ssyncset.done $0x0  }
0x7e: {  	s8 =	sadd.s32 $0x580, s7;
	[sflag:s21] =	ssyncadd.s32 $0xFFFFE000  }
0x7f: {  	[tilespmem:s18], [sflag:$0x4] =	stream.indirect.gather [spmem:s3], $0x80, s8, s11, $0xb8;
	[tilespmem:$0x1CE40] =	vst v63  }
0x80: {  	_ =	swait.ge [sflag:s23], $0x2000  }
0x81: {  	[sflag:s23] =	ssyncset.done $0x0  }
0x82: {  	s8 =	sadd.s32 $0x600, s7;
	[sflag:s23] =	ssyncadd.s32 $0xFFFFE000  }
0x83: {  	[tilespmem:s20], [sflag:$0x5] =	stream.indirect.gather [spmem:s3], $0x80, s8, s11, $0xb8;
	[tilespmem:$0x1CE40] =	vst v63  }
0x84: {  	_ =	swait.ge [sflag:s25], $0x2000  }
0x85: {  	[sflag:s25] =	ssyncset.done $0x0  }
0x86: {  	s8 =	sadd.s32 $0x680, s7;
	[sflag:s25] =	ssyncadd.s32 $0xFFFFE000  }
0x87: {  	[tilespmem:s22], [sflag:$0x6] =	stream.indirect.gather [spmem:s3], $0x80, s8, s11, $0xb8;
	[tilespmem:$0x1CE40] =	vst v63  }
0x88: {  	_ =	swait.ge [sflag:s5], $0x2000  }
0x89: {  	[sflag:s5] =	ssyncset.done $0x0  }
0x8a: {  	s8 =	sadd.s32 $0x700, s7;
	[sflag:s5] =	ssyncadd.s32 $0xFFFFE000  }
0x8b: {  	[tilespmem:s24], [sflag:$0x7] =	stream.indirect.gather [spmem:s3], $0x80, s8, s11, $0xb8;
	[tilespmem:$0x1CE40] =	vst v63  }
.Ltmp3:
0x8c: {  	_ = 	snop;
	(pc) =	sbr.rel .LBB2_2-.Ltmp3, $4  }
0x8d: {  	_ =	swait.ge [sflag:s6], $0x2000  }
0x8e: {  	s9 =	sadd.s32 $0x1000, s9;
	[sflag:s6] =	ssyncset.done $0x0  }
0x8f: {  	s10 =	sadd.s32 $0x2000, s10;
	s7 =	sadd.s32 $0x780, s7;
	[sflag:s6] =	ssyncadd.s32 $0xFFFFE000  }
0x90: {  	[tilespmem:s26], [sflag:$0x8] =	stream.indirect.gather [spmem:s3], $0x80, s7, s11, $0xb8;
	[tilespmem:$0x1CE40] =	vst v63  }
.LBB2_5:
0x91: {  	_ =	sfence.sel $0x180000  }
0x92: {  	[bflag:$0x0] =	sbarrier.arrive $0xFFFF  }
0x93: {  	_ =	strace $0x90000047  }
0x94: {  	[bflag:$0x2] =	sbarrier.arrive $0xFFFF  }
0x95: {  	s0 =	rddreg [dreg:$0x4]  }
0x96: {  	s0 =	sadd.s32 @!p0 $0x100000, s0  }
0x97: {  	[sflag:s0] =	ssyncadd.tile.s32 @!p0 $0x1;
	_ =	shalt  }
.Lfunc_end2:
_tile_overlayer_lowered:
.L_overlay_start_2:
0x98: {  	(tag) =	ssettag $0x2  }
0x99: {  	s0 =	rddreg [dreg:$0x0];
	s2 =	stileid.u32  }
0x9a: {  	s1 =	rddreg [dreg:$0x1];
	p0 =	sne.s32 s2, $0x0  }
0x9b: {  	s3 =	rddreg [dreg:$0x2];
	[bflag:$0x3] =	sbarrier.arrive $0xFFFF;
	s2 =	simm.s32 @!p0 $0x1C12  }
0x9c: {  	[timem:s3], [sflag:s2] =	dma.local @!p0 [hbm:s0], s1  }
0x9d: {  	s0 =	simm.s32 @!p0 $0x12  }
0x9e: {  	_ =	swait.ge @!p0 [sflag:s0], s1  }
0x9f: {  	s1 =	ssub.s32 @!p0 $0x0, s1;
	[sflag:s0] =	ssyncset.done @!p0 $0x0  }
0xa0: {  	[sflag:s0] =	ssyncadd.s32 @!p0 s1  }
0xa1: {  	[bflag:$0x3] =	sbarrier.arrive $0xFFFF  }
0xa2: {  	_ =	shalt  }

</sc_bundles>
